<compile_context>
chip_gen: v7x
topology: tpu7x:2x2x1
jax: 0.10.2.dev20260603
libtpu: 0.0.44.dev20260713+nightly
codegen_flags: <defaults>
</compile_context>

<pallas_src>
import functools

import numpy as np

import jax
import jax.numpy as jnp
from jax import lax
from jax.experimental import pallas as pl
from jax.experimental.pallas import tpu as pltpu
from jax.experimental.pallas import tpu_sc as plsc

_EPS = 1e-15
_MAXNORM = 1.0 - 4e-3

_NUM_CORES = 2
_NUM_SUBCORES = 16
_NW = _NUM_CORES * _NUM_SUBCORES
_CH = 128
_SUP = 16


def _artanh(z):
    z = jnp.clip(z, -1.0 + 1e-7, 1.0 - 1e-7)
    return 0.5 * jnp.log((1.0 + z) / (1.0 - z))


def _row_norm(v):
    return jnp.maximum(jnp.sqrt(jnp.sum(v * v, axis=-1, keepdims=True)), _EPS)


def _proj(v):
    n = _row_norm(v)
    return jnp.where(n > _MAXNORM, v / n * _MAXNORM, v)


def _phase_a_body(x_ref, wt_ref, b_ref, o_ref):
    x = x_ref[...]
    mx = jnp.dot(x, wt_ref[...], preferred_element_type=jnp.float32)
    x_norm = _row_norm(x)
    mx_norm = _row_norm(mx)
    res = jnp.tanh(mx_norm / x_norm * _artanh(x_norm)) * mx / mx_norm
    res = jnp.where(jnp.all(mx == 0.0, axis=-1, keepdims=True), 0.0, res)
    h = _proj(res)
    b = b_ref[...]
    bn = _row_norm(b)
    y = _proj(jnp.tanh(bn) * b / bn)
    x2 = jnp.sum(h * h, axis=-1, keepdims=True)
    y2 = jnp.sum(y * y, axis=-1, keepdims=True)
    xy = jnp.sum(h * y, axis=-1, keepdims=True)
    num = (1.0 + 2.0 * xy + y2) * h + (1.0 - x2) * y
    den = 1.0 + 2.0 * xy + x2 * y2
    h = _proj(num / jnp.maximum(den, _EPS))
    pn = _row_norm(h)
    o_ref[...] = _artanh(pn) * h / pn


def _phase_c_body(a_ref, b_ref, o_ref):
    v = a_ref[...] + b_ref[...]
    sn = _row_norm(v)
    o1 = _proj(jnp.tanh(sn) * v / sn)
    pn = _row_norm(o1)
    xt = jnp.maximum(_artanh(pn) * o1 / pn, 0.0)
    un = _row_norm(xt)
    o_ref[...] = _proj(jnp.tanh(un) * xt / un)


def _sc_segment_sum(xt, col_p, row_p, n_nodes, n_pad, nch0, nch1):
    d = xt.shape[1]
    nch = max(nch0, nch1)
    mesh = plsc.VectorSubcoreMesh(core_axis_name="c", subcore_axis_name="s")

    @functools.partial(
        pl.kernel,
        mesh=mesh,
        out_type=jax.ShapeDtypeStruct((_NUM_CORES, n_pad, d), jnp.float32),
        scratch_types=[
            pltpu.VMEM((nch, _CH), jnp.int32),
            pltpu.VMEM((2, 1, _CH), jnp.int32),
            pltpu.VMEM((2, _CH, d), jnp.float32),
            pltpu.VMEM_SHARED((n_pad, d), jnp.float32),
            pltpu.SemaphoreType.DMA((2,)),
            pltpu.SemaphoreType.DMA((2,)),
        ],
    )
    def seg(xt_hbm, col_hbm, row_hbm, out_hbm, col_v, ridx, gbuf, acc,
            gsem, rsem):
        cid = lax.axis_index("c")
        sid = lax.axis_index("s")
        wid = sid * _NUM_CORES + cid
        nch_c = jnp.where(cid == 0, nch0, nch1)

        buf0 = gbuf.at[0]

        def _zero_row(i, carry):
            for k in range(d // 16):
                gbuf[0, i, pl.ds(k * 16, 16)] = jnp.zeros((16,), jnp.float32)
            return carry

        lax.fori_loop(0, _CH, _zero_row, 0)
        rows_per_tile = n_pad // _NUM_SUBCORES
        base = sid * rows_per_tile
        off = 0
        while off < rows_per_tile:
            nr = min(_CH, rows_per_tile - off)
            pltpu.sync_copy(buf0.at[pl.ds(0, nr)],
                            acc.at[pl.ds(base + off, nr)])
            off += nr

        pltpu.sync_copy(col_hbm.at[wid], col_v)
        pltpu.async_copy(row_hbm.at[wid].at[0], ridx.at[0], rsem.at[0])
        pltpu.async_copy(row_hbm.at[wid].at[1], ridx.at[1], rsem.at[1])
        plsc.subcore_barrier()

        pltpu.async_copy(xt_hbm.at[col_v.at[0]], gbuf.at[0], gsem.at[0])

        def _step(j, carry):
            b = lax.rem(j, 2)
            nb = 1 - b
            pltpu.make_async_copy(
                xt_hbm.at[col_v.at[j]], gbuf.at[b], gsem.at[b]).wait()

            @pl.when(j + 1 < nch_c)
            def _():
                pltpu.async_copy(
                    xt_hbm.at[col_v.at[j + 1]], gbuf.at[nb], gsem.at[nb])

            pltpu.make_async_copy(
                row_hbm.at[wid].at[j], ridx.at[b], rsem.at[b]).wait()
            pltpu.sync_copy(gbuf.at[b], acc.at[ridx.at[b, 0]], add=True)

            @pl.when(j + 2 < nch_c)
            def _():
                pltpu.async_copy(
                    row_hbm.at[wid].at[j + 2], ridx.at[b], rsem.at[b])

            return carry

        lax.fori_loop(0, nch_c, _step, 0)
        plsc.subcore_barrier()

        pltpu.sync_copy(
            acc.at[pl.ds(base, rows_per_tile)],
            out_hbm.at[cid].at[pl.ds(base, rows_per_tile)],
        )

    return seg(xt, col_p, row_p)


def kernel(x, edge_index, W, bias):
    n, d = x.shape
    e = edge_index.shape[1]

    blk = 1000
    grid = (n // blk,)
    xt = pl.pallas_call(
        _phase_a_body,
        grid=grid,
        in_specs=[
            pl.BlockSpec((blk, d), lambda i: (i, 0)),
            pl.BlockSpec((d, d), lambda i: (0, 0)),
            pl.BlockSpec((1, d), lambda i: (0, 0)),
        ],
        out_specs=pl.BlockSpec((blk, d), lambda i: (i, 0)),
        out_shape=jax.ShapeDtypeStruct((n, d), jnp.float32),
    )(x, W.T, bias.reshape(1, d))

    total_chunks = -(-e // _CH)
    pair_total = -(-total_chunks // _NUM_SUBCORES)
    nch1 = max(2, min(pair_total - 2, int(round(pair_total * 0.50))))
    nch0 = pair_total - nch1
    e_pad = _NUM_SUBCORES * pair_total * _CH
    n_pad = -(-(n + 1) // (8 * _NUM_SUBCORES)) * (8 * _NUM_SUBCORES)
    row = edge_index[0]
    col = edge_index[1]
    pad_dst = n + (jnp.arange(e_pad - e, dtype=jnp.int32) % (n_pad - n))
    col_flat = jnp.concatenate(
        [col, jnp.zeros((e_pad - e,), jnp.int32)]).reshape(-1, _CH)
    row_flat = jnp.concatenate([row, pad_dst]).reshape(-1, _CH)
    blocks = [nch0 if (w % _NUM_CORES) == 0 else nch1 for w in range(_NW)]
    starts = np.concatenate([[0], np.cumsum(blocks)[:-1]])
    nch_max = max(nch0, nch1)
    cmap = np.zeros((_NW, nch_max), np.int32)
    for w in range(_NW):
        cmap[w, :blocks[w]] = starts[w] + np.arange(blocks[w])
    cmap_j = jnp.asarray(cmap)
    col_p = col_flat[cmap_j]
    row_p = row_flat[cmap_j][:, :, None, :]

    parts = _sc_segment_sum(xt, col_p, row_p, n, n_pad, nch0, nch1)

    parts = parts[:, :n, :]
    out = pl.pallas_call(
        _phase_c_body,
        grid=grid,
        in_specs=[
            pl.BlockSpec((blk, d), lambda i: (i, 0)),
            pl.BlockSpec((blk, d), lambda i: (i, 0)),
        ],
        out_specs=pl.BlockSpec((blk, d), lambda i: (i, 0)),
        out_shape=jax.ShapeDtypeStruct((n, d), jnp.float32),
    )(parts[0], parts[1])
    return out

# --- scband reference (transcript-rebuilt; emitter-appended) ---
"""Pipeline reference for scband-hgcnconv-56788057588086 (READ-ONLY COPY).

The authoritative reference and input builder live on the scoring server;
editing this copy changes nothing except your own understanding.
"""

import jax, jax.numpy as jnp
import numpy as np

C = 1.0
EPS = 1e-15
PROJ_EPS = 4e-3


def artanh(x):
    return jnp.arctanh(jnp.clip(x, -1 + 1e-7, 1 - 1e-7))


def _norm(x):
    return jnp.maximum(jnp.linalg.norm(x, axis=-1, keepdims=True), EPS)


def proj(x, c):
    norm = _norm(x)
    maxnorm = (1.0 - PROJ_EPS) / jnp.sqrt(c)
    projected = x / norm * maxnorm
    return jnp.where(norm > maxnorm, projected, x)


def expmap0(u, c):
    sqrt_c = jnp.sqrt(c)
    u_norm = _norm(u)
    return jnp.tanh(sqrt_c * u_norm) * u / (sqrt_c * u_norm)


def logmap0(p, c):
    sqrt_c = jnp.sqrt(c)
    p_norm = _norm(p)
    return artanh(sqrt_c * p_norm) * p / (sqrt_c * p_norm)


def mobius_add(x, y, c):
    x2 = jnp.sum(x * x, axis=-1, keepdims=True)
    y2 = jnp.sum(y * y, axis=-1, keepdims=True)
    xy = jnp.sum(x * y, axis=-1, keepdims=True)
    num = (1 + 2 * c * xy + c * y2) * x + (1 - c * x2) * y
    denom = 1 + 2 * c * xy + (c ** 2) * x2 * y2
    return num / jnp.maximum(denom, EPS)


def mobius_matvec(M, x, c):
    sqrt_c = jnp.sqrt(c)
    x_norm = _norm(x)
    mx = x @ M.T
    mx_norm = _norm(mx)
    res_c = jnp.tanh(mx_norm / x_norm * artanh(sqrt_c * x_norm)) * mx / (mx_norm * sqrt_c)
    cond = jnp.all(mx == 0, axis=-1, keepdims=True)
    return jnp.where(cond, jnp.zeros_like(res_c), res_c)


def setup_inputs(seed: int = 0) -> dict:
    key = jax.random.key(seed)
    k1, k2, k3 = jax.random.split(key, 3)
    N, D, E = 10000, 128, 320000
    x = jax.random.normal(k1, (N, D), dtype=jnp.float32)
    edge_index = jax.random.randint(k2, (2, E), 0, N, dtype=jnp.int32)
    W = jax.random.normal(k3, (D, D), dtype=jnp.float32) * (1.0 / np.sqrt(D))
    bias = jnp.zeros((D,), dtype=jnp.float32)
    return {"x": x, "edge_index": edge_index, "W": W, "bias": bias}


def reference(x, edge_index, W, bias):
    c = C
    N = x.shape[0]
    # HypLinear: mobius matvec + hyperbolic bias (dropout=0.0 -> identity)
    mv = mobius_matvec(W, x, c)
    h = proj(mv, c)
    hyp_bias = proj(expmap0(bias.reshape(1, -1), c), c)
    h = proj(mobius_add(h, hyp_bias, c), c)
    # HypAgg (use_att=False): spmm(adj, logmap0(h)) as edge gather + scatter-add
    x_tangent = logmap0(h, c)
    row = edge_index[0]
    col = edge_index[1]
    support_t = jax.ops.segment_sum(x_tangent[col], row, num_segments=N)
    out = proj(expmap0(support_t, c), c)
    # HypAct: relu in tangent space at origin, map back
    xt = jax.nn.relu(logmap0(out, c))
    out = proj(expmap0(xt, c), c)
    return out

if __name__ == "__main__":
    import jax
    _d = setup_inputs()
    print(jax.jit(kernel)(*tuple(_d.values())))

</pallas_src>

<mosaic_0001>
#map = affine_map<(d0, d1) -> (0, 0)>
#map1 = affine_map<(d0, d1) -> (0, 0, 0)>
#map2 = affine_map<(d0, d1) -> (0, 0, 0, 0)>
module attributes {stable_mosaic.version = 14 : i64} {
  func.func @seg(%arg0: i32, %arg1: i32, %arg2: memref<10000x128xf32, #tpu.memory_space<hbm>>, %arg3: memref<32x79x128xi32, #tpu.memory_space<hbm>>, %arg4: memref<32x79x1x128xi32, #tpu.memory_space<hbm>>, %arg5: memref<2x10112x128xf32, #tpu.memory_space<hbm>>, %arg6: memref<79x128xi32, #tpu.memory_space<vmem>>, %arg7: memref<2x1x128xi32, #tpu.memory_space<vmem>>, %arg8: memref<2x128x128xf32, #tpu.memory_space<vmem>>, %arg9: memref<10112x128xf32, #tpu.memory_space<vmem_shared>>, %arg10: memref<2x!tpu.dma_semaphore, #tpu.memory_space<semaphore_mem>>, %arg11: memref<2x!tpu.dma_semaphore, #tpu.memory_space<semaphore_mem>>) attributes {dimension_semantics = [#tpu.dimension_semantics<core_parallel>, #tpu.dimension_semantics<subcore_parallel>], iteration_bounds = array<i64: 2, 16>, scalar_prefetch = 0 : i64, scratch_operands = 6 : i64, tpu.core_type = #tpu.core_type<sc_vector_subcore>, window_params = [{transform_indices = #map}, {transform_indices = #map1}, {transform_indices = #map2}, {transform_indices = #map1}]} {
    %mul3A = arith.constant 2 : i32
    %mul3A_0 = arith.muli %arg1, %mul3A : i32
    %add3A = arith.addi %mul3A_0, %arg0 : i32
    %eq3A = arith.constant 0 : i32
    %eq3A_1 = arith.cmpi eq, %arg0, %eq3A : i32
    %jit3A = arith.constant 79 : i32
    %jit3A_2 = arith.constant 78 : i32
    %select_n3A = arith.select %eq3A_1, %jit3A, %jit3A_2 : i32
    %scan3A = arith.constant 0 : i32
    %scan3A_3 = arith.constant 0 : i32
    %scan3A_4 = arith.constant 128 : i32
    %scan3A_5 = arith.addi %scan3A_3, %scan3A_4 : i32
    %scan3A_6 = arith.constant 1 : i32
    scf.for %scan3A_110 = %scan3A_3 to %scan3A_5 step %scan3A_6  : i32 {
      %broadcast_in_dim3A = arith.constant 0.000000e+00 : f32
      %broadcast_in_dim3A_111 = vector.broadcast %broadcast_in_dim3A : f32 to vector<16xf32>
      %swap3A = arith.constant 0 : i32
      %swap3A_112 = arith.index_cast %swap3A : i32 to index
      %swap3A_113 = arith.index_cast %scan3A_110 : i32 to index
      %swap3A_114 = arith.constant 0 : index
      %swap3A_115 = tpu.vector_load %arg8[%swap3A_112, %swap3A_113, %swap3A_114] {strides = array<i32>} : memref<2x128x128xf32, #tpu.memory_space<vmem>>, vector<1x1x16xf32>,
      %swap3A_116 = vector.shape_cast %swap3A_115 : vector<1x1x16xf32> to vector<16xf32>
      %swap3A_117 = vector.shape_cast %broadcast_in_dim3A_111 : vector<16xf32> to vector<1x1x16xf32>
      tpu.vector_store %arg8[%swap3A_112, %swap3A_113, %swap3A_114], %swap3A_117 {strides = array<i32>} : memref<2x128x128xf32, #tpu.memory_space<vmem>>, vector<1x1x16xf32>,
      %broadcast_in_dim3A_118 = arith.constant 0.000000e+00 : f32
      %broadcast_in_dim3A_119 = vector.broadcast %broadcast_in_dim3A_118 : f32 to vector<16xf32>
      %swap3A_120 = arith.constant 0 : i32
      %swap3A_121 = arith.index_cast %swap3A_120 : i32 to index
      %swap3A_122 = arith.index_cast %scan3A_110 : i32 to index
      %swap3A_123 = arith.constant 16 : index
      %swap3A_124 = tpu.vector_load %arg8[%swap3A_121, %swap3A_122, %swap3A_123] {strides = array<i32>} : memref<2x128x128xf32, #tpu.memory_space<vmem>>, vector<1x1x16xf32>,
      %swap3A_125 = vector.shape_cast %swap3A_124 : vector<1x1x16xf32> to vector<16xf32>
      %swap3A_126 = vector.shape_cast %broadcast_in_dim3A_119 : vector<16xf32> to vector<1x1x16xf32>
      tpu.vector_store %arg8[%swap3A_121, %swap3A_122, %swap3A_123], %swap3A_126 {strides = array<i32>} : memref<2x128x128xf32, #tpu.memory_space<vmem>>, vector<1x1x16xf32>,
      %broadcast_in_dim3A_127 = arith.constant 0.000000e+00 : f32
      %broadcast_in_dim3A_128 = vector.broadcast %broadcast_in_dim3A_127 : f32 to vector<16xf32>
      %swap3A_129 = arith.constant 0 : i32
      %swap3A_130 = arith.index_cast %swap3A_129 : i32 to index
      %swap3A_131 = arith.index_cast %scan3A_110 : i32 to index
      %swap3A_132 = arith.constant 32 : index
      %swap3A_133 = tpu.vector_load %arg8[%swap3A_130, %swap3A_131, %swap3A_132] {strides = array<i32>} : memref<2x128x128xf32, #tpu.memory_space<vmem>>, vector<1x1x16xf32>,
      %swap3A_134 = vector.shape_cast %swap3A_133 : vector<1x1x16xf32> to vector<16xf32>
      %swap3A_135 = vector.shape_cast %broadcast_in_dim3A_128 : vector<16xf32> to vector<1x1x16xf32>
      tpu.vector_store %arg8[%swap3A_130, %swap3A_131, %swap3A_132], %swap3A_135 {strides = array<i32>} : memref<2x128x128xf32, #tpu.memory_space<vmem>>, vector<1x1x16xf32>,
      %broadcast_in_dim3A_136 = arith.constant 0.000000e+00 : f32
      %broadcast_in_dim3A_137 = vector.broadcast %broadcast_in_dim3A_136 : f32 to vector<16xf32>
      %swap3A_138 = arith.constant 0 : i32
      %swap3A_139 = arith.index_cast %swap3A_138 : i32 to index
      %swap3A_140 = arith.index_cast %scan3A_110 : i32 to index
      %swap3A_141 = arith.constant 48 : index
      %swap3A_142 = tpu.vector_load %arg8[%swap3A_139, %swap3A_140, %swap3A_141] {strides = array<i32>} : memref<2x128x128xf32, #tpu.memory_space<vmem>>, vector<1x1x16xf32>,
      %swap3A_143 = vector.shape_cast %swap3A_142 : vector<1x1x16xf32> to vector<16xf32>
      %swap3A_144 = vector.shape_cast %broadcast_in_dim3A_137 : vector<16xf32> to vector<1x1x16xf32>
      tpu.vector_store %arg8[%swap3A_139, %swap3A_140, %swap3A_141], %swap3A_144 {strides = array<i32>} : memref<2x128x128xf32, #tpu.memory_space<vmem>>, vector<1x1x16xf32>,
      %broadcast_in_dim3A_145 = arith.constant 0.000000e+00 : f32
      %broadcast_in_dim3A_146 = vector.broadcast %broadcast_in_dim3A_145 : f32 to vector<16xf32>
      %swap3A_147 = arith.constant 0 : i32
      %swap3A_148 = arith.index_cast %swap3A_147 : i32 to index
      %swap3A_149 = arith.index_cast %scan3A_110 : i32 to index
      %swap3A_150 = arith.constant 64 : index
      %swap3A_151 = tpu.vector_load %arg8[%swap3A_148, %swap3A_149, %swap3A_150] {strides = array<i32>} : memref<2x128x128xf32, #tpu.memory_space<vmem>>, vector<1x1x16xf32>,
      %swap3A_152 = vector.shape_cast %swap3A_151 : vector<1x1x16xf32> to vector<16xf32>
      %swap3A_153 = vector.shape_cast %broadcast_in_dim3A_146 : vector<16xf32> to vector<1x1x16xf32>
      tpu.vector_store %arg8[%swap3A_148, %swap3A_149, %swap3A_150], %swap3A_153 {strides = array<i32>} : memref<2x128x128xf32, #tpu.memory_space<vmem>>, vector<1x1x16xf32>,
      %broadcast_in_dim3A_154 = arith.constant 0.000000e+00 : f32
      %broadcast_in_dim3A_155 = vector.broadcast %broadcast_in_dim3A_154 : f32 to vector<16xf32>
      %swap3A_156 = arith.constant 0 : i32
      %swap3A_157 = arith.index_cast %swap3A_156 : i32 to index
      %swap3A_158 = arith.index_cast %scan3A_110 : i32 to index
      %swap3A_159 = arith.constant 80 : index
      %swap3A_160 = tpu.vector_load %arg8[%swap3A_157, %swap3A_158, %swap3A_159] {strides = array<i32>} : memref<2x128x128xf32, #tpu.memory_space<vmem>>, vector<1x1x16xf32>,
      %swap3A_161 = vector.shape_cast %swap3A_160 : vector<1x1x16xf32> to vector<16xf32>
      %swap3A_162 = vector.shape_cast %broadcast_in_dim3A_155 : vector<16xf32> to vector<1x1x16xf32>
      tpu.vector_store %arg8[%swap3A_157, %swap3A_158, %swap3A_159], %swap3A_162 {strides = array<i32>} : memref<2x128x128xf32, #tpu.memory_space<vmem>>, vector<1x1x16xf32>,
      %broadcast_in_dim3A_163 = arith.constant 0.000000e+00 : f32
      %broadcast_in_dim3A_164 = vector.broadcast %broadcast_in_dim3A_163 : f32 to vector<16xf32>
      %swap3A_165 = arith.constant 0 : i32
      %swap3A_166 = arith.index_cast %swap3A_165 : i32 to index
      %swap3A_167 = arith.index_cast %scan3A_110 : i32 to index
      %swap3A_168 = arith.constant 96 : index
      %swap3A_169 = tpu.vector_load %arg8[%swap3A_166, %swap3A_167, %swap3A_168] {strides = array<i32>} : memref<2x128x128xf32, #tpu.memory_space<vmem>>, vector<1x1x16xf32>,
      %swap3A_170 = vector.shape_cast %swap3A_169 : vector<1x1x16xf32> to vector<16xf32>
      %swap3A_171 = vector.shape_cast %broadcast_in_dim3A_164 : vector<16xf32> to vector<1x1x16xf32>
      tpu.vector_store %arg8[%swap3A_166, %swap3A_167, %swap3A_168], %swap3A_171 {strides = array<i32>} : memref<2x128x128xf32, #tpu.memory_space<vmem>>, vector<1x1x16xf32>,
      %broadcast_in_dim3A_172 = arith.constant 0.000000e+00 : f32
      %broadcast_in_dim3A_173 = vector.broadcast %broadcast_in_dim3A_172 : f32 to vector<16xf32>
      %swap3A_174 = arith.constant 0 : i32
      %swap3A_175 = arith.index_cast %swap3A_174 : i32 to index
      %swap3A_176 = arith.index_cast %scan3A_110 : i32 to index
      %swap3A_177 = arith.constant 112 : index
      %swap3A_178 = tpu.vector_load %arg8[%swap3A_175, %swap3A_176, %swap3A_177] {strides = array<i32>} : memref<2x128x128xf32, #tpu.memory_space<vmem>>, vector<1x1x16xf32>,
      %swap3A_179 = vector.shape_cast %swap3A_178 : vector<1x1x16xf32> to vector<16xf32>
      %swap3A_180 = vector.shape_cast %broadcast_in_dim3A_173 : vector<16xf32> to vector<1x1x16xf32>
      tpu.vector_store %arg8[%swap3A_175, %swap3A_176, %swap3A_177], %swap3A_180 {strides = array<i32>} : memref<2x128x128xf32, #tpu.memory_space<vmem>>, vector<1x1x16xf32>,
    }
    %scan3A_7 = arith.constant 128 : i32
    %mul3A_8 = arith.constant 632 : i32
    %mul3A_9 = arith.muli %arg1, %mul3A_8 : i32
    %add3A_10 = arith.constant 0 : i32
    %add3A_11 = arith.addi %mul3A_9, %add3A_10 : i32
    %run_scoped3A = arith.constant 0 : i32
    "tpu.region"() ({
      %run_scoped3A_110 = tpu.sem_alloc : memref<!tpu.dma_semaphore, #tpu.memory_space<semaphore_mem>>
      %dma_start3A_111 = arith.constant 0 : i32
      %dma_start3A_112 = arith.constant 0 : i32
      %dma_start3A_113 = tpu.memref_slice %arg8[%run_scoped3A, %dma_start3A_111, %dma_start3A_112] : memref<2x128x128xf32, #tpu.memory_space<vmem>> -> memref<1x128x128xf32, #tpu.memory_space<vmem>>
      %dma_start3A_114 = tpu.memref_squeeze %dma_start3A_113 : memref<1x128x128xf32, #tpu.memory_space<vmem>> -> memref<128x128xf32, #tpu.memory_space<vmem>>
      %dma_start3A_115 = arith.constant 0 : i32
      %dma_start3A_116 = arith.constant 0 : i32
      %dma_start3A_117 = tpu.memref_slice %dma_start3A_114[%dma_start3A_115, %dma_start3A_116] : memref<128x128xf32, #tpu.memory_space<vmem>> -> memref<128x128xf32, #tpu.memory_space<vmem>>
      %dma_start3A_118 = arith.constant 0 : i32
      %dma_start3A_119 = tpu.memref_slice %arg9[%add3A_11, %dma_start3A_118] : memref<10112x128xf32, #tpu.memory_space<vmem_shared>> -> memref<128x128xf32, #tpu.memory_space<vmem_shared>>
      %dma_start3A_120 = arith.constant 0 : i32
      %dma_start3A_121 = tpu.memref_slice %arg9[%add3A_11, %dma_start3A_120] : memref<10112x128xf32, #tpu.memory_space<vmem_shared>> -> memref<128x128xf32, #tpu.memory_space<vmem_shared>>
      %dma_start3A_122 = arith.constant 0 : i32
      %dma_start3A_123 = arith.constant 0 : i32
      %dma_start3A_124 = tpu.memref_slice %arg8[%run_scoped3A, %dma_start3A_122, %dma_start3A_123] : memref<2x128x128xf32, #tpu.memory_space<vmem>> -> memref<1x128x128xf32, #tpu.memory_space<vmem>>
      %dma_start3A_125 = tpu.memref_squeeze %dma_start3A_124 : memref<1x128x128xf32, #tpu.memory_space<vmem>> -> memref<128x128xf32, #tpu.memory_space<vmem>>
      %dma_start3A_126 = arith.constant 0 : i32
      %dma_start3A_127 = arith.constant 0 : i32
      %dma_start3A_128 = tpu.memref_slice %dma_start3A_125[%dma_start3A_126, %dma_start3A_127] : memref<128x128xf32, #tpu.memory_space<vmem>> -> memref<128x128xf32, #tpu.memory_space<vmem>>
      tpu.enqueue_dma source(%dma_start3A_128 : memref<128x128xf32, #tpu.memory_space<vmem>>) target(%dma_start3A_121 : memref<128x128xf32, #tpu.memory_space<vmem_shared>>) target_semaphore(%run_scoped3A_110 : memref<!tpu.dma_semaphore, #tpu.memory_space<semaphore_mem>>)
      %dma_wait3A = arith.constant 0 : i32
      %dma_wait3A_129 = arith.constant 0 : i32
      %dma_wait3A_130 = tpu.memref_slice %arg8[%run_scoped3A, %dma_wait3A, %dma_wait3A_129] : memref<2x128x128xf32, #tpu.memory_space<vmem>> -> memref<1x128x128xf32, #tpu.memory_space<vmem>>
      %dma_wait3A_131 = tpu.memref_squeeze %dma_wait3A_130 : memref<1x128x128xf32, #tpu.memory_space<vmem>> -> memref<128x128xf32, #tpu.memory_space<vmem>>
      %dma_wait3A_132 = arith.constant 0 : i32
      %dma_wait3A_133 = arith.constant 0 : i32
      %dma_wait3A_134 = tpu.memref_slice %dma_wait3A_131[%dma_wait3A_132, %dma_wait3A_133] : memref<128x128xf32, #tpu.memory_space<vmem>> -> memref<128x128xf32, #tpu.memory_space<vmem>>
      %dma_wait3A_135 = arith.constant 0 : i32
      %dma_wait3A_136 = tpu.memref_slice %arg9[%add3A_11, %dma_wait3A_135] : memref<10112x128xf32, #tpu.memory_space<vmem_shared>> -> memref<128x128xf32, #tpu.memory_space<vmem_shared>>
      %dma_wait3A_137 = arith.constant 0 : i32
      %dma_wait3A_138 = tpu.memref_slice %arg9[%add3A_11, %dma_wait3A_137] : memref<10112x128xf32, #tpu.memory_space<vmem_shared>> -> memref<128x128xf32, #tpu.memory_space<vmem_shared>>
      %dma_wait3A_139 = arith.constant 0 : i32
      %dma_wait3A_140 = arith.constant 0 : i32
      %dma_wait3A_141 = tpu.memref_slice %arg8[%run_scoped3A, %dma_wait3A_139, %dma_wait3A_140] : memref<2x128x128xf32, #tpu.memory_space<vmem>> -> memref<1x128x128xf32, #tpu.memory_space<vmem>>
      %dma_wait3A_142 = tpu.memref_squeeze %dma_wait3A_141 : memref<1x128x128xf32, #tpu.memory_space<vmem>> -> memref<128x128xf32, #tpu.memory_space<vmem>>
      %dma_wait3A_143 = arith.constant 0 : i32
      %dma_wait3A_144 = arith.constant 0 : i32
      %dma_wait3A_145 = tpu.memref_slice %dma_wait3A_142[%dma_wait3A_143, %dma_wait3A_144] : memref<128x128xf32, #tpu.memory_space<vmem>> -> memref<128x128xf32, #tpu.memory_space<vmem>>
      tpu.wait_dma2 semaphore(%run_scoped3A_110 : memref<!tpu.dma_semaphore, #tpu.memory_space<semaphore_mem>>) src(%dma_wait3A_145 : memref<128x128xf32, #tpu.memory_space<vmem>>) dst(%dma_wait3A_138 : memref<128x128xf32, #tpu.memory_space<vmem_shared>>)
      tpu.yield
    }) : () -> ()
    %add3A_12 = arith.constant 128 : i32
    %add3A_13 = arith.addi %mul3A_9, %add3A_12 : i32
    %run_scoped3A_14 = arith.constant 0 : i32
    "tpu.region"() ({
      %run_scoped3A_110 = tpu.sem_alloc : memref<!tpu.dma_semaphore, #tpu.memory_space<semaphore_mem>>
      %dma_start3A_111 = arith.constant 0 : i32
      %dma_start3A_112 = arith.constant 0 : i32
      %dma_start3A_113 = tpu.memref_slice %arg8[%run_scoped3A_14, %dma_start3A_111, %dma_start3A_112] : memref<2x128x128xf32, #tpu.memory_space<vmem>> -> memref<1x128x128xf32, #tpu.memory_space<vmem>>
      %dma_start3A_114 = tpu.memref_squeeze %dma_start3A_113 : memref<1x128x128xf32, #tpu.memory_space<vmem>> -> memref<128x128xf32, #tpu.memory_space<vmem>>
      %dma_start3A_115 = arith.constant 0 : i32
      %dma_start3A_116 = arith.constant 0 : i32
      %dma_start3A_117 = tpu.memref_slice %dma_start3A_114[%dma_start3A_115, %dma_start3A_116] : memref<128x128xf32, #tpu.memory_space<vmem>> -> memref<128x128xf32, #tpu.memory_space<vmem>>
      %dma_start3A_118 = arith.constant 0 : i32
      %dma_start3A_119 = tpu.memref_slice %arg9[%add3A_13, %dma_start3A_118] : memref<10112x128xf32, #tpu.memory_space<vmem_shared>> -> memref<128x128xf32, #tpu.memory_space<vmem_shared>>
      %dma_start3A_120 = arith.constant 0 : i32
      %dma_start3A_121 = tpu.memref_slice %arg9[%add3A_13, %dma_start3A_120] : memref<10112x128xf32, #tpu.memory_space<vmem_shared>> -> memref<128x128xf32, #tpu.memory_space<vmem_shared>>
      %dma_start3A_122 = arith.constant 0 : i32
      %dma_start3A_123 = arith.constant 0 : i32
      %dma_start3A_124 = tpu.memref_slice %arg8[%run_scoped3A_14, %dma_start3A_122, %dma_start3A_123] : memref<2x128x128xf32, #tpu.memory_space<vmem>> -> memref<1x128x128xf32, #tpu.memory_space<vmem>>
      %dma_start3A_125 = tpu.memref_squeeze %dma_start3A_124 : memref<1x128x128xf32, #tpu.memory_space<vmem>> -> memref<128x128xf32, #tpu.memory_space<vmem>>
      %dma_start3A_126 = arith.constant 0 : i32
      %dma_start3A_127 = arith.constant 0 : i32
      %dma_start3A_128 = tpu.memref_slice %dma_start3A_125[%dma_start3A_126, %dma_start3A_127] : memref<128x128xf32, #tpu.memory_space<vmem>> -> memref<128x128xf32, #tpu.memory_space<vmem>>
      tpu.enqueue_dma source(%dma_start3A_128 : memref<128x128xf32, #tpu.memory_space<vmem>>) target(%dma_start3A_121 : memref<128x128xf32, #tpu.memory_space<vmem_shared>>) target_semaphore(%run_scoped3A_110 : memref<!tpu.dma_semaphore, #tpu.memory_space<semaphore_mem>>)
      %dma_wait3A = arith.constant 0 : i32
      %dma_wait3A_129 = arith.constant 0 : i32
      %dma_wait3A_130 = tpu.memref_slice %arg8[%run_scoped3A_14, %dma_wait3A, %dma_wait3A_129] : memref<2x128x128xf32, #tpu.memory_space<vmem>> -> memref<1x128x128xf32, #tpu.memory_space<vmem>>
      %dma_wait3A_131 = tpu.memref_squeeze %dma_wait3A_130 : memref<1x128x128xf32, #tpu.memory_space<vmem>> -> memref<128x128xf32, #tpu.memory_space<vmem>>
      %dma_wait3A_132 = arith.constant 0 : i32
      %dma_wait3A_133 = arith.constant 0 : i32
      %dma_wait3A_134 = tpu.memref_slice %dma_wait3A_131[%dma_wait3A_132, %dma_wait3A_133] : memref<128x128xf32, #tpu.memory_space<vmem>> -> memref<128x128xf32, #tpu.memory_space<vmem>>
      %dma_wait3A_135 = arith.constant 0 : i32
      %dma_wait3A_136 = tpu.memref_slice %arg9[%add3A_13, %dma_wait3A_135] : memref<10112x128xf32, #tpu.memory_space<vmem_shared>> -> memref<128x128xf32, #tpu.memory_space<vmem_shared>>
      %dma_wait3A_137 = arith.constant 0 : i32
      %dma_wait3A_138 = tpu.memref_slice %arg9[%add3A_13, %dma_wait3A_137] : memref<10112x128xf32, #tpu.memory_space<vmem_shared>> -> memref<128x128xf32, #tpu.memory_space<vmem_shared>>
      %dma_wait3A_139 = arith.constant 0 : i32
      %dma_wait3A_140 = arith.constant 0 : i32
      %dma_wait3A_141 = tpu.memref_slice %arg8[%run_scoped3A_14, %dma_wait3A_139, %dma_wait3A_140] : memref<2x128x128xf32, #tpu.memory_space<vmem>> -> memref<1x128x128xf32, #tpu.memory_space<vmem>>
      %dma_wait3A_142 = tpu.memref_squeeze %dma_wait3A_141 : memref<1x128x128xf32, #tpu.memory_space<vmem>> -> memref<128x128xf32, #tpu.memory_space<vmem>>
      %dma_wait3A_143 = arith.constant 0 : i32
      %dma_wait3A_144 = arith.constant 0 : i32
      %dma_wait3A_145 = tpu.memref_slice %dma_wait3A_142[%dma_wait3A_143, %dma_wait3A_144] : memref<128x128xf32, #tpu.memory_space<vmem>> -> memref<128x128xf32, #tpu.memory_space<vmem>>
      tpu.wait_dma2 semaphore(%run_scoped3A_110 : memref<!tpu.dma_semaphore, #tpu.memory_space<semaphore_mem>>) src(%dma_wait3A_145 : memref<128x128xf32, #tpu.memory_space<vmem>>) dst(%dma_wait3A_138 : memref<128x128xf32, #tpu.memory_space<vmem_shared>>)
      tpu.yield
    }) : () -> ()
    %add3A_15 = arith.constant 256 : i32
    %add3A_16 = arith.addi %mul3A_9, %add3A_15 : i32
    %run_scoped3A_17 = arith.constant 0 : i32
    "tpu.region"() ({
      %run_scoped3A_110 = tpu.sem_alloc : memref<!tpu.dma_semaphore, #tpu.memory_space<semaphore_mem>>
      %dma_start3A_111 = arith.constant 0 : i32
      %dma_start3A_112 = arith.constant 0 : i32
      %dma_start3A_113 = tpu.memref_slice %arg8[%run_scoped3A_17, %dma_start3A_111, %dma_start3A_112] : memref<2x128x128xf32, #tpu.memory_space<vmem>> -> memref<1x128x128xf32, #tpu.memory_space<vmem>>
      %dma_start3A_114 = tpu.memref_squeeze %dma_start3A_113 : memref<1x128x128xf32, #tpu.memory_space<vmem>> -> memref<128x128xf32, #tpu.memory_space<vmem>>
      %dma_start3A_115 = arith.constant 0 : i32
      %dma_start3A_116 = arith.constant 0 : i32
      %dma_start3A_117 = tpu.memref_slice %dma_start3A_114[%dma_start3A_115, %dma_start3A_116] : memref<128x128xf32, #tpu.memory_space<vmem>> -> memref<128x128xf32, #tpu.memory_space<vmem>>
      %dma_start3A_118 = arith.constant 0 : i32
      %dma_start3A_119 = tpu.memref_slice %arg9[%add3A_16, %dma_start3A_118] : memref<10112x128xf32, #tpu.memory_space<vmem_shared>> -> memref<128x128xf32, #tpu.memory_space<vmem_shared>>
      %dma_start3A_120 = arith.constant 0 : i32
      %dma_start3A_121 = tpu.memref_slice %arg9[%add3A_16, %dma_start3A_120] : memref<10112x128xf32, #tpu.memory_space<vmem_shared>> -> memref<128x128xf32, #tpu.memory_space<vmem_shared>>
      %dma_start3A_122 = arith.constant 0 : i32
      %dma_start3A_123 = arith.constant 0 : i32
      %dma_start3A_124 = tpu.memref_slice %arg8[%run_scoped3A_17, %dma_start3A_122, %dma_start3A_123] : memref<2x128x128xf32, #tpu.memory_space<vmem>> -> memref<1x128x128xf32, #tpu.memory_space<vmem>>
      %dma_start3A_125 = tpu.memref_squeeze %dma_start3A_124 : memref<1x128x128xf32, #tpu.memory_space<vmem>> -> memref<128x128xf32, #tpu.memory_space<vmem>>
      %dma_start3A_126 = arith.constant 0 : i32
      %dma_start3A_127 = arith.constant 0 : i32
      %dma_start3A_128 = tpu.memref_slice %dma_start3A_125[%dma_start3A_126, %dma_start3A_127] : memref<128x128xf32, #tpu.memory_space<vmem>> -> memref<128x128xf32, #tpu.memory_space<vmem>>
      tpu.enqueue_dma source(%dma_start3A_128 : memref<128x128xf32, #tpu.memory_space<vmem>>) target(%dma_start3A_121 : memref<128x128xf32, #tpu.memory_space<vmem_shared>>) target_semaphore(%run_scoped3A_110 : memref<!tpu.dma_semaphore, #tpu.memory_space<semaphore_mem>>)
      %dma_wait3A = arith.constant 0 : i32
      %dma_wait3A_129 = arith.constant 0 : i32
      %dma_wait3A_130 = tpu.memref_slice %arg8[%run_scoped3A_17, %dma_wait3A, %dma_wait3A_129] : memref<2x128x128xf32, #tpu.memory_space<vmem>> -> memref<1x128x128xf32, #tpu.memory_space<vmem>>
      %dma_wait3A_131 = tpu.memref_squeeze %dma_wait3A_130 : memref<1x128x128xf32, #tpu.memory_space<vmem>> -> memref<128x128xf32, #tpu.memory_space<vmem>>
      %dma_wait3A_132 = arith.constant 0 : i32
      %dma_wait3A_133 = arith.constant 0 : i32
      %dma_wait3A_134 = tpu.memref_slice %dma_wait3A_131[%dma_wait3A_132, %dma_wait3A_133] : memref<128x128xf32, #tpu.memory_space<vmem>> -> memref<128x128xf32, #tpu.memory_space<vmem>>
      %dma_wait3A_135 = arith.constant 0 : i32
      %dma_wait3A_136 = tpu.memref_slice %arg9[%add3A_16, %dma_wait3A_135] : memref<10112x128xf32, #tpu.memory_space<vmem_shared>> -> memref<128x128xf32, #tpu.memory_space<vmem_shared>>
      %dma_wait3A_137 = arith.constant 0 : i32
      %dma_wait3A_138 = tpu.memref_slice %arg9[%add3A_16, %dma_wait3A_137] : memref<10112x128xf32, #tpu.memory_space<vmem_shared>> -> memref<128x128xf32, #tpu.memory_space<vmem_shared>>
      %dma_wait3A_139 = arith.constant 0 : i32
      %dma_wait3A_140 = arith.constant 0 : i32
      %dma_wait3A_141 = tpu.memref_slice %arg8[%run_scoped3A_17, %dma_wait3A_139, %dma_wait3A_140] : memref<2x128x128xf32, #tpu.memory_space<vmem>> -> memref<1x128x128xf32, #tpu.memory_space<vmem>>
      %dma_wait3A_142 = tpu.memref_squeeze %dma_wait3A_141 : memref<1x128x128xf32, #tpu.memory_space<vmem>> -> memref<128x128xf32, #tpu.memory_space<vmem>>
      %dma_wait3A_143 = arith.constant 0 : i32
      %dma_wait3A_144 = arith.constant 0 : i32
      %dma_wait3A_145 = tpu.memref_slice %dma_wait3A_142[%dma_wait3A_143, %dma_wait3A_144] : memref<128x128xf32, #tpu.memory_space<vmem>> -> memref<128x128xf32, #tpu.memory_space<vmem>>
      tpu.wait_dma2 semaphore(%run_scoped3A_110 : memref<!tpu.dma_semaphore, #tpu.memory_space<semaphore_mem>>) src(%dma_wait3A_145 : memref<128x128xf32, #tpu.memory_space<vmem>>) dst(%dma_wait3A_138 : memref<128x128xf32, #tpu.memory_space<vmem_shared>>)
      tpu.yield
    }) : () -> ()
    %add3A_18 = arith.constant 384 : i32
    %add3A_19 = arith.addi %mul3A_9, %add3A_18 : i32
    %run_scoped3A_20 = arith.constant 0 : i32
    "tpu.region"() ({
      %run_scoped3A_110 = tpu.sem_alloc : memref<!tpu.dma_semaphore, #tpu.memory_space<semaphore_mem>>
      %dma_start3A_111 = arith.constant 0 : i32
      %dma_start3A_112 = arith.constant 0 : i32
      %dma_start3A_113 = tpu.memref_slice %arg8[%run_scoped3A_20, %dma_start3A_111, %dma_start3A_112] : memref<2x128x128xf32, #tpu.memory_space<vmem>> -> memref<1x128x128xf32, #tpu.memory_space<vmem>>
      %dma_start3A_114 = tpu.memref_squeeze %dma_start3A_113 : memref<1x128x128xf32, #tpu.memory_space<vmem>> -> memref<128x128xf32, #tpu.memory_space<vmem>>
      %dma_start3A_115 = arith.constant 0 : i32
      %dma_start3A_116 = arith.constant 0 : i32
      %dma_start3A_117 = tpu.memref_slice %dma_start3A_114[%dma_start3A_115, %dma_start3A_116] : memref<128x128xf32, #tpu.memory_space<vmem>> -> memref<128x128xf32, #tpu.memory_space<vmem>>
      %dma_start3A_118 = arith.constant 0 : i32
      %dma_start3A_119 = tpu.memref_slice %arg9[%add3A_19, %dma_start3A_118] : memref<10112x128xf32, #tpu.memory_space<vmem_shared>> -> memref<128x128xf32, #tpu.memory_space<vmem_shared>>
      %dma_start3A_120 = arith.constant 0 : i32
      %dma_start3A_121 = tpu.memref_slice %arg9[%add3A_19, %dma_start3A_120] : memref<10112x128xf32, #tpu.memory_space<vmem_shared>> -> memref<128x128xf32, #tpu.memory_space<vmem_shared>>
      %dma_start3A_122 = arith.constant 0 : i32
      %dma_start3A_123 = arith.constant 0 : i32
      %dma_start3A_124 = tpu.memref_slice %arg8[%run_scoped3A_20, %dma_start3A_122, %dma_start3A_123] : memref<2x128x128xf32, #tpu.memory_space<vmem>> -> memref<1x128x128xf32, #tpu.memory_space<vmem>>
      %dma_start3A_125 = tpu.memref_squeeze %dma_start3A_124 : memref<1x128x128xf32, #tpu.memory_space<vmem>> -> memref<128x128xf32, #tpu.memory_space<vmem>>
      %dma_start3A_126 = arith.constant 0 : i32
      %dma_start3A_127 = arith.constant 0 : i32
      %dma_start3A_128 = tpu.memref_slice %dma_start3A_125[%dma_start3A_126, %dma_start3A_127] : memref<128x128xf32, #tpu.memory_space<vmem>> -> memref<128x128xf32, #tpu.memory_space<vmem>>
      tpu.enqueue_dma source(%dma_start3A_128 : memref<128x128xf32, #tpu.memory_space<vmem>>) target(%dma_start3A_121 : memref<128x128xf32, #tpu.memory_space<vmem_shared>>) target_semaphore(%run_scoped3A_110 : memref<!tpu.dma_semaphore, #tpu.memory_space<semaphore_mem>>)
      %dma_wait3A = arith.constant 0 : i32
      %dma_wait3A_129 = arith.constant 0 : i32
      %dma_wait3A_130 = tpu.memref_slice %arg8[%run_scoped3A_20, %dma_wait3A, %dma_wait3A_129] : memref<2x128x128xf32, #tpu.memory_space<vmem>> -> memref<1x128x128xf32, #tpu.memory_space<vmem>>
      %dma_wait3A_131 = tpu.memref_squeeze %dma_wait3A_130 : memref<1x128x128xf32, #tpu.memory_space<vmem>> -> memref<128x128xf32, #tpu.memory_space<vmem>>
      %dma_wait3A_132 = arith.constant 0 : i32
      %dma_wait3A_133 = arith.constant 0 : i32
      %dma_wait3A_134 = tpu.memref_slice %dma_wait3A_131[%dma_wait3A_132, %dma_wait3A_133] : memref<128x128xf32, #tpu.memory_space<vmem>> -> memref<128x128xf32, #tpu.memory_space<vmem>>
      %dma_wait3A_135 = arith.constant 0 : i32
      %dma_wait3A_136 = tpu.memref_slice %arg9[%add3A_19, %dma_wait3A_135] : memref<10112x128xf32, #tpu.memory_space<vmem_shared>> -> memref<128x128xf32, #tpu.memory_space<vmem_shared>>
      %dma_wait3A_137 = arith.constant 0 : i32
      %dma_wait3A_138 = tpu.memref_slice %arg9[%add3A_19, %dma_wait3A_137] : memref<10112x128xf32, #tpu.memory_space<vmem_shared>> -> memref<128x128xf32, #tpu.memory_space<vmem_shared>>
      %dma_wait3A_139 = arith.constant 0 : i32
      %dma_wait3A_140 = arith.constant 0 : i32
      %dma_wait3A_141 = tpu.memref_slice %arg8[%run_scoped3A_20, %dma_wait3A_139, %dma_wait3A_140] : memref<2x128x128xf32, #tpu.memory_space<vmem>> -> memref<1x128x128xf32, #tpu.memory_space<vmem>>
      %dma_wait3A_142 = tpu.memref_squeeze %dma_wait3A_141 : memref<1x128x128xf32, #tpu.memory_space<vmem>> -> memref<128x128xf32, #tpu.memory_space<vmem>>
      %dma_wait3A_143 = arith.constant 0 : i32
      %dma_wait3A_144 = arith.constant 0 : i32
      %dma_wait3A_145 = tpu.memref_slice %dma_wait3A_142[%dma_wait3A_143, %dma_wait3A_144] : memref<128x128xf32, #tpu.memory_space<vmem>> -> memref<128x128xf32, #tpu.memory_space<vmem>>
      tpu.wait_dma2 semaphore(%run_scoped3A_110 : memref<!tpu.dma_semaphore, #tpu.memory_space<semaphore_mem>>) src(%dma_wait3A_145 : memref<128x128xf32, #tpu.memory_space<vmem>>) dst(%dma_wait3A_138 : memref<128x128xf32, #tpu.memory_space<vmem_shared>>)
      tpu.yield
    }) : () -> ()
    %add3A_21 = arith.constant 512 : i32
    %add3A_22 = arith.addi %mul3A_9, %add3A_21 : i32
    %run_scoped3A_23 = arith.constant 0 : i32
    "tpu.region"() ({
      %run_scoped3A_110 = tpu.sem_alloc : memref<!tpu.dma_semaphore, #tpu.memory_space<semaphore_mem>>
      %dma_start3A_111 = arith.constant 0 : i32
      %dma_start3A_112 = arith.constant 0 : i32
      %dma_start3A_113 = tpu.memref_slice %arg8[%run_scoped3A_23, %dma_start3A_111, %dma_start3A_112] : memref<2x128x128xf32, #tpu.memory_space<vmem>> -> memref<1x128x128xf32, #tpu.memory_space<vmem>>
      %dma_start3A_114 = tpu.memref_squeeze %dma_start3A_113 : memref<1x128x128xf32, #tpu.memory_space<vmem>> -> memref<128x128xf32, #tpu.memory_space<vmem>>
      %dma_start3A_115 = arith.constant 0 : i32
      %dma_start3A_116 = arith.constant 0 : i32
      %dma_start3A_117 = tpu.memref_slice %dma_start3A_114[%dma_start3A_115, %dma_start3A_116] : memref<128x128xf32, #tpu.memory_space<vmem>> -> memref<120x128xf32, #tpu.memory_space<vmem>>
      %dma_start3A_118 = arith.constant 0 : i32
      %dma_start3A_119 = tpu.memref_slice %arg9[%add3A_22, %dma_start3A_118] : memref<10112x128xf32, #tpu.memory_space<vmem_shared>> -> memref<120x128xf32, #tpu.memory_space<vmem_shared>>
      %dma_start3A_120 = arith.constant 0 : i32
      %dma_start3A_121 = tpu.memref_slice %arg9[%add3A_22, %dma_start3A_120] : memref<10112x128xf32, #tpu.memory_space<vmem_shared>> -> memref<120x128xf32, #tpu.memory_space<vmem_shared>>
      %dma_start3A_122 = arith.constant 0 : i32
      %dma_start3A_123 = arith.constant 0 : i32
      %dma_start3A_124 = tpu.memref_slice %arg8[%run_scoped3A_23, %dma_start3A_122, %dma_start3A_123] : memref<2x128x128xf32, #tpu.memory_space<vmem>> -> memref<1x128x128xf32, #tpu.memory_space<vmem>>
      %dma_start3A_125 = tpu.memref_squeeze %dma_start3A_124 : memref<1x128x128xf32, #tpu.memory_space<vmem>> -> memref<128x128xf32, #tpu.memory_space<vmem>>
      %dma_start3A_126 = arith.constant 0 : i32
      %dma_start3A_127 = arith.constant 0 : i32
      %dma_start3A_128 = tpu.memref_slice %dma_start3A_125[%dma_start3A_126, %dma_start3A_127] : memref<128x128xf32, #tpu.memory_space<vmem>> -> memref<120x128xf32, #tpu.memory_space<vmem>>
      tpu.enqueue_dma source(%dma_start3A_128 : memref<120x128xf32, #tpu.memory_space<vmem>>) target(%dma_start3A_121 : memref<120x128xf32, #tpu.memory_space<vmem_shared>>) target_semaphore(%run_scoped3A_110 : memref<!tpu.dma_semaphore, #tpu.memory_space<semaphore_mem>>)
      %dma_wait3A = arith.constant 0 : i32
      %dma_wait3A_129 = arith.constant 0 : i32
      %dma_wait3A_130 = tpu.memref_slice %arg8[%run_scoped3A_23, %dma_wait3A, %dma_wait3A_129] : memref<2x128x128xf32, #tpu.memory_space<vmem>> -> memref<1x128x128xf32, #tpu.memory_space<vmem>>
      %dma_wait3A_131 = tpu.memref_squeeze %dma_wait3A_130 : memref<1x128x128xf32, #tpu.memory_space<vmem>> -> memref<128x128xf32, #tpu.memory_space<vmem>>
      %dma_wait3A_132 = arith.constant 0 : i32
      %dma_wait3A_133 = arith.constant 0 : i32
      %dma_wait3A_134 = tpu.memref_slice %dma_wait3A_131[%dma_wait3A_132, %dma_wait3A_133] : memref<128x128xf32, #tpu.memory_space<vmem>> -> memref<120x128xf32, #tpu.memory_space<vmem>>
      %dma_wait3A_135 = arith.constant 0 : i32
      %dma_wait3A_136 = tpu.memref_slice %arg9[%add3A_22, %dma_wait3A_135] : memref<10112x128xf32, #tpu.memory_space<vmem_shared>> -> memref<120x128xf32, #tpu.memory_space<vmem_shared>>
      %dma_wait3A_137 = arith.constant 0 : i32
      %dma_wait3A_138 = tpu.memref_slice %arg9[%add3A_22, %dma_wait3A_137] : memref<10112x128xf32, #tpu.memory_space<vmem_shared>> -> memref<120x128xf32, #tpu.memory_space<vmem_shared>>
      %dma_wait3A_139 = arith.constant 0 : i32
      %dma_wait3A_140 = arith.constant 0 : i32
      %dma_wait3A_141 = tpu.memref_slice %arg8[%run_scoped3A_23, %dma_wait3A_139, %dma_wait3A_140] : memref<2x128x128xf32, #tpu.memory_space<vmem>> -> memref<1x128x128xf32, #tpu.memory_space<vmem>>
      %dma_wait3A_142 = tpu.memref_squeeze %dma_wait3A_141 : memref<1x128x128xf32, #tpu.memory_space<vmem>> -> memref<128x128xf32, #tpu.memory_space<vmem>>
      %dma_wait3A_143 = arith.constant 0 : i32
      %dma_wait3A_144 = arith.constant 0 : i32
      %dma_wait3A_145 = tpu.memref_slice %dma_wait3A_142[%dma_wait3A_143, %dma_wait3A_144] : memref<128x128xf32, #tpu.memory_space<vmem>> -> memref<120x128xf32, #tpu.memory_space<vmem>>
      tpu.wait_dma2 semaphore(%run_scoped3A_110 : memref<!tpu.dma_semaphore, #tpu.memory_space<semaphore_mem>>) src(%dma_wait3A_145 : memref<120x128xf32, #tpu.memory_space<vmem>>) dst(%dma_wait3A_138 : memref<120x128xf32, #tpu.memory_space<vmem_shared>>)
      tpu.yield
    }) : () -> ()
    "tpu.region"() ({
      %run_scoped3A_110 = tpu.sem_alloc : memref<!tpu.dma_semaphore, #tpu.memory_space<semaphore_mem>>
      %dma_start3A_111 = arith.constant 0 : i32
      %dma_start3A_112 = arith.constant 0 : i32
      %dma_start3A_113 = tpu.memref_slice %arg3[%add3A, %dma_start3A_111, %dma_start3A_112] : memref<32x79x128xi32, #tpu.memory_space<hbm>> -> memref<1x79x128xi32, #tpu.memory_space<hbm>>
      %dma_start3A_114 = tpu.memref_squeeze %dma_start3A_113 : memref<1x79x128xi32, #tpu.memory_space<hbm>> -> memref<79x128xi32, #tpu.memory_space<hbm>>
      %dma_start3A_115 = arith.constant 0 : i32
      %dma_start3A_116 = arith.constant 0 : i32
      %dma_start3A_117 = tpu.memref_slice %arg3[%add3A, %dma_start3A_115, %dma_start3A_116] : memref<32x79x128xi32, #tpu.memory_space<hbm>> -> memref<1x79x128xi32, #tpu.memory_space<hbm>>
      %dma_start3A_118 = tpu.memref_squeeze %dma_start3A_117 : memref<1x79x128xi32, #tpu.memory_space<hbm>> -> memref<79x128xi32, #tpu.memory_space<hbm>>
      tpu.enqueue_dma source(%dma_start3A_118 : memref<79x128xi32, #tpu.memory_space<hbm>>) target(%arg6 : memref<79x128xi32, #tpu.memory_space<vmem>>) target_semaphore(%run_scoped3A_110 : memref<!tpu.dma_semaphore, #tpu.memory_space<semaphore_mem>>)
      %dma_wait3A = arith.constant 0 : i32
      %dma_wait3A_119 = arith.constant 0 : i32
      %dma_wait3A_120 = tpu.memref_slice %arg3[%add3A, %dma_wait3A, %dma_wait3A_119] : memref<32x79x128xi32, #tpu.memory_space<hbm>> -> memref<1x79x128xi32, #tpu.memory_space<hbm>>
      %dma_wait3A_121 = tpu.memref_squeeze %dma_wait3A_120 : memref<1x79x128xi32, #tpu.memory_space<hbm>> -> memref<79x128xi32, #tpu.memory_space<hbm>>
      %dma_wait3A_122 = arith.constant 0 : i32
      %dma_wait3A_123 = arith.constant 0 : i32
      %dma_wait3A_124 = tpu.memref_slice %arg3[%add3A, %dma_wait3A_122, %dma_wait3A_123] : memref<32x79x128xi32, #tpu.memory_space<hbm>> -> memref<1x79x128xi32, #tpu.memory_space<hbm>>
      %dma_wait3A_125 = tpu.memref_squeeze %dma_wait3A_124 : memref<1x79x128xi32, #tpu.memory_space<hbm>> -> memref<79x128xi32, #tpu.memory_space<hbm>>
      tpu.wait_dma2 semaphore(%run_scoped3A_110 : memref<!tpu.dma_semaphore, #tpu.memory_space<semaphore_mem>>) src(%dma_wait3A_125 : memref<79x128xi32, #tpu.memory_space<hbm>>) dst(%arg6 : memref<79x128xi32, #tpu.memory_space<vmem>>)
      tpu.yield
    }) : () -> ()
    %dma_start3A = arith.constant 0 : i32
    %dma_start3A_24 = arith.constant 0 : i32
    %dma_start3A_25 = arith.constant 0 : i32
    %dma_start3A_26 = arith.constant 0 : i32
    %dma_start3A_27 = arith.constant 0 : i32
    %dma_start3A_28 = tpu.memref_slice %arg7[%dma_start3A_24, %dma_start3A_26, %dma_start3A_27] : memref<2x1x128xi32, #tpu.memory_space<vmem>> -> memref<1x1x128xi32, #tpu.memory_space<vmem>>
    %dma_start3A_29 = tpu.memref_squeeze %dma_start3A_28 : memref<1x1x128xi32, #tpu.memory_space<vmem>> -> memref<1x128xi32, #tpu.memory_space<vmem>>
    %dma_start3A_30 = arith.constant 0 : i32
    %dma_start3A_31 = arith.constant 0 : i32
    %dma_start3A_32 = arith.constant 0 : i32
    %dma_start3A_33 = tpu.memref_slice %arg4[%add3A, %dma_start3A_30, %dma_start3A_31, %dma_start3A_32] : memref<32x79x1x128xi32, #tpu.memory_space<hbm>> -> memref<1x79x1x128xi32, #tpu.memory_space<hbm>>
    %dma_start3A_34 = tpu.memref_squeeze %dma_start3A_33 : memref<1x79x1x128xi32, #tpu.memory_space<hbm>> -> memref<79x1x128xi32, #tpu.memory_space<hbm>>
    %dma_start3A_35 = arith.constant 0 : i32
    %dma_start3A_36 = arith.constant 0 : i32
    %dma_start3A_37 = tpu.memref_slice %dma_start3A_34[%dma_start3A, %dma_start3A_35, %dma_start3A_36] : memref<79x1x128xi32, #tpu.memory_space<hbm>> -> memref<1x1x128xi32, #tpu.memory_space<hbm>>
    %dma_start3A_38 = tpu.memref_squeeze %dma_start3A_37 : memref<1x1x128xi32, #tpu.memory_space<hbm>> -> memref<1x128xi32, #tpu.memory_space<hbm>>
    %dma_start3A_39 = tpu.memref_slice %arg11[%dma_start3A_25] : memref<2x!tpu.dma_semaphore, #tpu.memory_space<semaphore_mem>> -> memref<1x!tpu.dma_semaphore, #tpu.memory_space<semaphore_mem>>
    %dma_start3A_40 = tpu.memref_squeeze %dma_start3A_39 : memref<1x!tpu.dma_semaphore, #tpu.memory_space<semaphore_mem>> -> memref<!tpu.dma_semaphore, #tpu.memory_space<semaphore_mem>>
    %dma_start3A_41 = arith.constant 0 : i32
    %dma_start3A_42 = arith.constant 0 : i32
    %dma_start3A_43 = tpu.memref_slice %arg7[%dma_start3A_24, %dma_start3A_41, %dma_start3A_42] : memref<2x1x128xi32, #tpu.memory_space<vmem>> -> memref<1x1x128xi32, #tpu.memory_space<vmem>>
    %dma_start3A_44 = tpu.memref_squeeze %dma_start3A_43 : memref<1x1x128xi32, #tpu.memory_space<vmem>> -> memref<1x128xi32, #tpu.memory_space<vmem>>
    %dma_start3A_45 = arith.constant 0 : i32
    %dma_start3A_46 = arith.constant 0 : i32
    %dma_start3A_47 = arith.constant 0 : i32
    %dma_start3A_48 = tpu.memref_slice %arg4[%add3A, %dma_start3A_45, %dma_start3A_46, %dma_start3A_47] : memref<32x79x1x128xi32, #tpu.memory_space<hbm>> -> memref<1x79x1x128xi32, #tpu.memory_space<hbm>>
    %dma_start3A_49 = tpu.memref_squeeze %dma_start3A_48 : memref<1x79x1x128xi32, #tpu.memory_space<hbm>> -> memref<79x1x128xi32, #tpu.memory_space<hbm>>
    %dma_start3A_50 = arith.constant 0 : i32
    %dma_start3A_51 = arith.constant 0 : i32
    %dma_start3A_52 = tpu.memref_slice %dma_start3A_49[%dma_start3A, %dma_start3A_50, %dma_start3A_51] : memref<79x1x128xi32, #tpu.memory_space<hbm>> -> memref<1x1x128xi32, #tpu.memory_space<hbm>>
    %dma_start3A_53 = tpu.memref_squeeze %dma_start3A_52 : memref<1x1x128xi32, #tpu.memory_space<hbm>> -> memref<1x128xi32, #tpu.memory_space<hbm>>
    tpu.enqueue_dma source(%dma_start3A_53 : memref<1x128xi32, #tpu.memory_space<hbm>>) target(%dma_start3A_44 : memref<1x128xi32, #tpu.memory_space<vmem>>) target_semaphore(%dma_start3A_40 : memref<!tpu.dma_semaphore, #tpu.memory_space<semaphore_mem>>)
    %dma_start3A_54 = arith.constant 1 : i32
    %dma_start3A_55 = arith.constant 1 : i32
    %dma_start3A_56 = arith.constant 1 : i32
    %dma_start3A_57 = arith.constant 0 : i32
    %dma_start3A_58 = arith.constant 0 : i32
    %dma_start3A_59 = tpu.memref_slice %arg7[%dma_start3A_55, %dma_start3A_57, %dma_start3A_58] : memref<2x1x128xi32, #tpu.memory_space<vmem>> -> memref<1x1x128xi32, #tpu.memory_space<vmem>>
    %dma_start3A_60 = tpu.memref_squeeze %dma_start3A_59 : memref<1x1x128xi32, #tpu.memory_space<vmem>> -> memref<1x128xi32, #tpu.memory_space<vmem>>
    %dma_start3A_61 = arith.constant 0 : i32
    %dma_start3A_62 = arith.constant 0 : i32
    %dma_start3A_63 = arith.constant 0 : i32
    %dma_start3A_64 = tpu.memref_slice %arg4[%add3A, %dma_start3A_61, %dma_start3A_62, %dma_start3A_63] : memref<32x79x1x128xi32, #tpu.memory_space<hbm>> -> memref<1x79x1x128xi32, #tpu.memory_space<hbm>>
    %dma_start3A_65 = tpu.memref_squeeze %dma_start3A_64 : memref<1x79x1x128xi32, #tpu.memory_space<hbm>> -> memref<79x1x128xi32, #tpu.memory_space<hbm>>
    %dma_start3A_66 = arith.constant 0 : i32
    %dma_start3A_67 = arith.constant 0 : i32
    %dma_start3A_68 = tpu.memref_slice %dma_start3A_65[%dma_start3A_54, %dma_start3A_66, %dma_start3A_67] : memref<79x1x128xi32, #tpu.memory_space<hbm>> -> memref<1x1x128xi32, #tpu.memory_space<hbm>>
    %dma_start3A_69 = tpu.memref_squeeze %dma_start3A_68 : memref<1x1x128xi32, #tpu.memory_space<hbm>> -> memref<1x128xi32, #tpu.memory_space<hbm>>
    %dma_start3A_70 = tpu.memref_slice %arg11[%dma_start3A_56] : memref<2x!tpu.dma_semaphore, #tpu.memory_space<semaphore_mem>> -> memref<1x!tpu.dma_semaphore, #tpu.memory_space<semaphore_mem>>
    %dma_start3A_71 = tpu.memref_squeeze %dma_start3A_70 : memref<1x!tpu.dma_semaphore, #tpu.memory_space<semaphore_mem>> -> memref<!tpu.dma_semaphore, #tpu.memory_space<semaphore_mem>>
    %dma_start3A_72 = arith.constant 0 : i32
    %dma_start3A_73 = arith.constant 0 : i32
    %dma_start3A_74 = tpu.memref_slice %arg7[%dma_start3A_55, %dma_start3A_72, %dma_start3A_73] : memref<2x1x128xi32, #tpu.memory_space<vmem>> -> memref<1x1x128xi32, #tpu.memory_space<vmem>>
    %dma_start3A_75 = tpu.memref_squeeze %dma_start3A_74 : memref<1x1x128xi32, #tpu.memory_space<vmem>> -> memref<1x128xi32, #tpu.memory_space<vmem>>
    %dma_start3A_76 = arith.constant 0 : i32
    %dma_start3A_77 = arith.constant 0 : i32
    %dma_start3A_78 = arith.constant 0 : i32
    %dma_start3A_79 = tpu.memref_slice %arg4[%add3A, %dma_start3A_76, %dma_start3A_77, %dma_start3A_78] : memref<32x79x1x128xi32, #tpu.memory_space<hbm>> -> memref<1x79x1x128xi32, #tpu.memory_space<hbm>>
    %dma_start3A_80 = tpu.memref_squeeze %dma_start3A_79 : memref<1x79x1x128xi32, #tpu.memory_space<hbm>> -> memref<79x1x128xi32, #tpu.memory_space<hbm>>
    %dma_start3A_81 = arith.constant 0 : i32
    %dma_start3A_82 = arith.constant 0 : i32
    %dma_start3A_83 = tpu.memref_slice %dma_start3A_80[%dma_start3A_54, %dma_start3A_81, %dma_start3A_82] : memref<79x1x128xi32, #tpu.memory_space<hbm>> -> memref<1x1x128xi32, #tpu.memory_space<hbm>>
    %dma_start3A_84 = tpu.memref_squeeze %dma_start3A_83 : memref<1x1x128xi32, #tpu.memory_space<hbm>> -> memref<1x128xi32, #tpu.memory_space<hbm>>
    tpu.enqueue_dma source(%dma_start3A_84 : memref<1x128xi32, #tpu.memory_space<hbm>>) target(%dma_start3A_75 : memref<1x128xi32, #tpu.memory_space<vmem>>) target_semaphore(%dma_start3A_71 : memref<!tpu.dma_semaphore, #tpu.memory_space<semaphore_mem>>)
    %barrier3A = arith.constant 0 : index
    tpu.barrier barrier_id(%barrier3A)
    %dma_start3A_85 = arith.constant 0 : i32
    %dma_start3A_86 = arith.constant 0 : i32
    %dma_start3A_87 = arith.constant 0 : i32
    %dma_start3A_88 = arith.constant 0 : i32
    %dma_start3A_89 = arith.constant 0 : i32
    %dma_start3A_90 = tpu.memref_slice %arg8[%dma_start3A_86, %dma_start3A_88, %dma_start3A_89] : memref<2x128x128xf32, #tpu.memory_space<vmem>> -> memref<1x128x128xf32, #tpu.memory_space<vmem>>
    %dma_start3A_91 = tpu.memref_squeeze %dma_start3A_90 : memref<1x128x128xf32, #tpu.memory_space<vmem>> -> memref<128x128xf32, #tpu.memory_space<vmem>>
    %dma_start3A_92 = arith.constant 0 : i32
    %dma_start3A_93 = tpu.memref_slice %arg6[%dma_start3A_85, %dma_start3A_92] : memref<79x128xi32, #tpu.memory_space<vmem>> -> memref<1x128xi32, #tpu.memory_space<vmem>>
    %dma_start3A_94 = tpu.memref_squeeze %dma_start3A_93 : memref<1x128xi32, #tpu.memory_space<vmem>> -> memref<128xi32, #tpu.memory_space<vmem>>
    %dma_start3A_95 = arith.constant 0 : i32
    %dma_start3A_96 = arith.constant 0 : i32
    %dma_start3A_97 = tpu.memref_slice %arg2[%dma_start3A_95, %dma_start3A_96] : memref<10000x128xf32, #tpu.memory_space<hbm>> -> memref<10000x128xf32, #tpu.memory_space<hbm>>
    %dma_start3A_98 = tpu.memref_slice %arg10[%dma_start3A_87] : memref<2x!tpu.dma_semaphore, #tpu.memory_space<semaphore_mem>> -> memref<1x!tpu.dma_semaphore, #tpu.memory_space<semaphore_mem>>
    %dma_start3A_99 = tpu.memref_squeeze %dma_start3A_98 : memref<1x!tpu.dma_semaphore, #tpu.memory_space<semaphore_mem>> -> memref<!tpu.dma_semaphore, #tpu.memory_space<semaphore_mem>>
    tpu.enqueue_indirect_dma source(%dma_start3A_97 : memref<10000x128xf32, #tpu.memory_space<hbm>>) target(%dma_start3A_91 : memref<128x128xf32, #tpu.memory_space<vmem>>) offsets(%dma_start3A_94 : memref<128xi32, #tpu.memory_space<vmem>>) semaphore(%dma_start3A_99 : memref<!tpu.dma_semaphore, #tpu.memory_space<semaphore_mem>>)
    %while3A = arith.constant 0 : i32
    %while3A_100 = arith.constant 0 : i32
    %while3A_101 = arith.subi %select_n3A, %while3A_100 : i32
    %while3A_102 = arith.addi %while3A_100, %while3A_101 : i32
    %while3A_103 = arith.constant 1 : i32
    %while3A_104 = arith.divsi %while3A_101, %while3A_103 : i32
    %while3A_105 = arith.muli %while3A_104, %while3A_103 : i32
    %while3A_106 = arith.addi %while3A_100, %while3A_105 : i32
    %while3A_107 = arith.constant 1 : i32
    scf.for %while3A_110 = %while3A_100 to %while3A_106 step %while3A_107  : i32 {
      %rem3A = arith.constant 2 : i32
      %rem3A_111 = arith.remsi %while3A_110, %rem3A : i32
      %sub3A = arith.constant 1 : i32
      %sub3A_112 = arith.subi %sub3A, %rem3A_111 : i32
      %dma_wait3A = arith.constant 0 : i32
      %dma_wait3A_113 = arith.constant 0 : i32
      %dma_wait3A_114 = tpu.memref_slice %arg8[%rem3A_111, %dma_wait3A, %dma_wait3A_113] : memref<2x128x128xf32, #tpu.memory_space<vmem>> -> memref<1x128x128xf32, #tpu.memory_space<vmem>>
      %dma_wait3A_115 = tpu.memref_squeeze %dma_wait3A_114 : memref<1x128x128xf32, #tpu.memory_space<vmem>> -> memref<128x128xf32, #tpu.memory_space<vmem>>
      %dma_wait3A_116 = arith.constant 0 : i32
      %dma_wait3A_117 = tpu.memref_slice %arg6[%while3A_110, %dma_wait3A_116] : memref<79x128xi32, #tpu.memory_space<vmem>> -> memref<1x128xi32, #tpu.memory_space<vmem>>
      %dma_wait3A_118 = tpu.memref_squeeze %dma_wait3A_117 : memref<1x128xi32, #tpu.memory_space<vmem>> -> memref<128xi32, #tpu.memory_space<vmem>>
      %dma_wait3A_119 = arith.constant 0 : i32
      %dma_wait3A_120 = arith.constant 0 : i32
      %dma_wait3A_121 = tpu.memref_slice %arg2[%dma_wait3A_119, %dma_wait3A_120] : memref<10000x128xf32, #tpu.memory_space<hbm>> -> memref<10000x128xf32, #tpu.memory_space<hbm>>
      %dma_wait3A_122 = tpu.memref_slice %arg10[%rem3A_111] : memref<2x!tpu.dma_semaphore, #tpu.memory_space<semaphore_mem>> -> memref<1x!tpu.dma_semaphore, #tpu.memory_space<semaphore_mem>>
      %dma_wait3A_123 = tpu.memref_squeeze %dma_wait3A_122 : memref<1x!tpu.dma_semaphore, #tpu.memory_space<semaphore_mem>> -> memref<!tpu.dma_semaphore, #tpu.memory_space<semaphore_mem>>
      tpu.wait_indirect_dma semaphore(%dma_wait3A_123 : memref<!tpu.dma_semaphore, #tpu.memory_space<semaphore_mem>>) src(%dma_wait3A_121 : memref<10000x128xf32, #tpu.memory_space<hbm>>) dst(%dma_wait3A_115 : memref<128x128xf32, #tpu.memory_space<vmem>>)
      %add3A_124 = arith.constant 1 : i32
      %add3A_125 = arith.addi %while3A_110, %add3A_124 : i32
      %lt3A = arith.cmpi slt, %add3A_125, %select_n3A : i32
      %convert_element_type3A = arith.extui %lt3A : i1 to i32
      %cond3A = arith.constant 0 : i32
      %cond3A_126 = arith.cmpi ne, %convert_element_type3A, %cond3A : i32
      scf.if %cond3A_126 {
        %add3A_162 = arith.constant 1 : i32
        %add3A_163 = arith.addi %while3A_110, %add3A_162 : i32
        %dma_start3A_164 = arith.constant 0 : i32
        %dma_start3A_165 = arith.constant 0 : i32
        %dma_start3A_166 = tpu.memref_slice %arg8[%sub3A_112, %dma_start3A_164, %dma_start3A_165] : memref<2x128x128xf32, #tpu.memory_space<vmem>> -> memref<1x128x128xf32, #tpu.memory_space<vmem>>
        %dma_start3A_167 = tpu.memref_squeeze %dma_start3A_166 : memref<1x128x128xf32, #tpu.memory_space<vmem>> -> memref<128x128xf32, #tpu.memory_space<vmem>>
        %dma_start3A_168 = arith.constant 0 : i32
        %dma_start3A_169 = tpu.memref_slice %arg6[%add3A_163, %dma_start3A_168] : memref<79x128xi32, #tpu.memory_space<vmem>> -> memref<1x128xi32, #tpu.memory_space<vmem>>
        %dma_start3A_170 = tpu.memref_squeeze %dma_start3A_169 : memref<1x128xi32, #tpu.memory_space<vmem>> -> memref<128xi32, #tpu.memory_space<vmem>>
        %dma_start3A_171 = arith.constant 0 : i32
        %dma_start3A_172 = arith.constant 0 : i32
        %dma_start3A_173 = tpu.memref_slice %arg2[%dma_start3A_171, %dma_start3A_172] : memref<10000x128xf32, #tpu.memory_space<hbm>> -> memref<10000x128xf32, #tpu.memory_space<hbm>>
        %dma_start3A_174 = tpu.memref_slice %arg10[%sub3A_112] : memref<2x!tpu.dma_semaphore, #tpu.memory_space<semaphore_mem>> -> memref<1x!tpu.dma_semaphore, #tpu.memory_space<semaphore_mem>>
        %dma_start3A_175 = tpu.memref_squeeze %dma_start3A_174 : memref<1x!tpu.dma_semaphore, #tpu.memory_space<semaphore_mem>> -> memref<!tpu.dma_semaphore, #tpu.memory_space<semaphore_mem>>
        tpu.enqueue_indirect_dma source(%dma_start3A_173 : memref<10000x128xf32, #tpu.memory_space<hbm>>) target(%dma_start3A_167 : memref<128x128xf32, #tpu.memory_space<vmem>>) offsets(%dma_start3A_170 : memref<128xi32, #tpu.memory_space<vmem>>) semaphore(%dma_start3A_175 : memref<!tpu.dma_semaphore, #tpu.memory_space<semaphore_mem>>)
      } else {
      }
      %dma_wait3A_127 = arith.constant 0 : i32
      %dma_wait3A_128 = arith.constant 0 : i32
      %dma_wait3A_129 = tpu.memref_slice %arg7[%rem3A_111, %dma_wait3A_127, %dma_wait3A_128] : memref<2x1x128xi32, #tpu.memory_space<vmem>> -> memref<1x1x128xi32, #tpu.memory_space<vmem>>
      %dma_wait3A_130 = tpu.memref_squeeze %dma_wait3A_129 : memref<1x1x128xi32, #tpu.memory_space<vmem>> -> memref<1x128xi32, #tpu.memory_space<vmem>>
      %dma_wait3A_131 = arith.constant 0 : i32
      %dma_wait3A_132 = arith.constant 0 : i32
      %dma_wait3A_133 = arith.constant 0 : i32
      %dma_wait3A_134 = tpu.memref_slice %arg4[%add3A, %dma_wait3A_131, %dma_wait3A_132, %dma_wait3A_133] : memref<32x79x1x128xi32, #tpu.memory_space<hbm>> -> memref<1x79x1x128xi32, #tpu.memory_space<hbm>>
      %dma_wait3A_135 = tpu.memref_squeeze %dma_wait3A_134 : memref<1x79x1x128xi32, #tpu.memory_space<hbm>> -> memref<79x1x128xi32, #tpu.memory_space<hbm>>
      %dma_wait3A_136 = arith.constant 0 : i32
      %dma_wait3A_137 = arith.constant 0 : i32
      %dma_wait3A_138 = tpu.memref_slice %dma_wait3A_135[%while3A_110, %dma_wait3A_136, %dma_wait3A_137] : memref<79x1x128xi32, #tpu.memory_space<hbm>> -> memref<1x1x128xi32, #tpu.memory_space<hbm>>
      %dma_wait3A_139 = tpu.memref_squeeze %dma_wait3A_138 : memref<1x1x128xi32, #tpu.memory_space<hbm>> -> memref<1x128xi32, #tpu.memory_space<hbm>>
      %dma_wait3A_140 = tpu.memref_slice %arg11[%rem3A_111] : memref<2x!tpu.dma_semaphore, #tpu.memory_space<semaphore_mem>> -> memref<1x!tpu.dma_semaphore, #tpu.memory_space<semaphore_mem>>
      %dma_wait3A_141 = tpu.memref_squeeze %dma_wait3A_140 : memref<1x!tpu.dma_semaphore, #tpu.memory_space<semaphore_mem>> -> memref<!tpu.dma_semaphore, #tpu.memory_space<semaphore_mem>>
      %dma_wait3A_142 = arith.constant 0 : i32
      %dma_wait3A_143 = arith.constant 0 : i32
      %dma_wait3A_144 = tpu.memref_slice %arg7[%rem3A_111, %dma_wait3A_142, %dma_wait3A_143] : memref<2x1x128xi32, #tpu.memory_space<vmem>> -> memref<1x1x128xi32, #tpu.memory_space<vmem>>
      %dma_wait3A_145 = tpu.memref_squeeze %dma_wait3A_144 : memref<1x1x128xi32, #tpu.memory_space<vmem>> -> memref<1x128xi32, #tpu.memory_space<vmem>>
      %dma_wait3A_146 = arith.constant 0 : i32
      %dma_wait3A_147 = arith.constant 0 : i32
      %dma_wait3A_148 = arith.constant 0 : i32
      %dma_wait3A_149 = tpu.memref_slice %arg4[%add3A, %dma_wait3A_146, %dma_wait3A_147, %dma_wait3A_148] : memref<32x79x1x128xi32, #tpu.memory_space<hbm>> -> memref<1x79x1x128xi32, #tpu.memory_space<hbm>>
      %dma_wait3A_150 = tpu.memref_squeeze %dma_wait3A_149 : memref<1x79x1x128xi32, #tpu.memory_space<hbm>> -> memref<79x1x128xi32, #tpu.memory_space<hbm>>
      %dma_wait3A_151 = arith.constant 0 : i32
      %dma_wait3A_152 = arith.constant 0 : i32
      %dma_wait3A_153 = tpu.memref_slice %dma_wait3A_150[%while3A_110, %dma_wait3A_151, %dma_wait3A_152] : memref<79x1x128xi32, #tpu.memory_space<hbm>> -> memref<1x1x128xi32, #tpu.memory_space<hbm>>
      %dma_wait3A_154 = tpu.memref_squeeze %dma_wait3A_153 : memref<1x1x128xi32, #tpu.memory_space<hbm>> -> memref<1x128xi32, #tpu.memory_space<hbm>>
      tpu.wait_dma2 semaphore(%dma_wait3A_141 : memref<!tpu.dma_semaphore, #tpu.memory_space<semaphore_mem>>) src(%dma_wait3A_154 : memref<1x128xi32, #tpu.memory_space<hbm>>) dst(%dma_wait3A_145 : memref<1x128xi32, #tpu.memory_space<vmem>>)
      %run_scoped3A_155 = arith.constant 0 : i32
      "tpu.region"() ({
        %run_scoped3A_162 = tpu.sem_alloc : memref<!tpu.dma_semaphore, #tpu.memory_space<semaphore_mem>>
        %dma_start3A_163 = arith.constant 0 : i32
        %dma_start3A_164 = arith.constant 0 : i32
        %dma_start3A_165 = tpu.memref_slice %arg8[%rem3A_111, %dma_start3A_163, %dma_start3A_164] : memref<2x128x128xf32, #tpu.memory_space<vmem>> -> memref<1x128x128xf32, #tpu.memory_space<vmem>>
        %dma_start3A_166 = tpu.memref_squeeze %dma_start3A_165 : memref<1x128x128xf32, #tpu.memory_space<vmem>> -> memref<128x128xf32, #tpu.memory_space<vmem>>
        %dma_start3A_167 = arith.constant 0 : i32
        %dma_start3A_168 = tpu.memref_slice %arg7[%rem3A_111, %run_scoped3A_155, %dma_start3A_167] : memref<2x1x128xi32, #tpu.memory_space<vmem>> -> memref<1x1x128xi32, #tpu.memory_space<vmem>>
        %dma_start3A_169 = tpu.memref_squeeze %dma_start3A_168 : memref<1x1x128xi32, #tpu.memory_space<vmem>> -> memref<128xi32, #tpu.memory_space<vmem>>
        %dma_start3A_170 = arith.constant 0 : i32
        %dma_start3A_171 = arith.constant 0 : i32
        %dma_start3A_172 = tpu.memref_slice %arg9[%dma_start3A_170, %dma_start3A_171] : memref<10112x128xf32, #tpu.memory_space<vmem_shared>> -> memref<10112x128xf32, #tpu.memory_space<vmem_shared>>
        tpu.enqueue_indirect_dma source(%dma_start3A_166 : memref<128x128xf32, #tpu.memory_space<vmem>>) target(%dma_start3A_172 : memref<10112x128xf32, #tpu.memory_space<vmem_shared>>) offsets(%dma_start3A_169 : memref<128xi32, #tpu.memory_space<vmem>>) semaphore(%run_scoped3A_162 : memref<!tpu.dma_semaphore, #tpu.memory_space<semaphore_mem>>) {add = true}
        %dma_wait3A_173 = arith.constant 0 : i32
        %dma_wait3A_174 = arith.constant 0 : i32
        %dma_wait3A_175 = tpu.memref_slice %arg8[%rem3A_111, %dma_wait3A_173, %dma_wait3A_174] : memref<2x128x128xf32, #tpu.memory_space<vmem>> -> memref<1x128x128xf32, #tpu.memory_space<vmem>>
        %dma_wait3A_176 = tpu.memref_squeeze %dma_wait3A_175 : memref<1x128x128xf32, #tpu.memory_space<vmem>> -> memref<128x128xf32, #tpu.memory_space<vmem>>
        %dma_wait3A_177 = arith.constant 0 : i32
        %dma_wait3A_178 = tpu.memref_slice %arg7[%rem3A_111, %run_scoped3A_155, %dma_wait3A_177] : memref<2x1x128xi32, #tpu.memory_space<vmem>> -> memref<1x1x128xi32, #tpu.memory_space<vmem>>
        %dma_wait3A_179 = tpu.memref_squeeze %dma_wait3A_178 : memref<1x1x128xi32, #tpu.memory_space<vmem>> -> memref<128xi32, #tpu.memory_space<vmem>>
        %dma_wait3A_180 = arith.constant 0 : i32
        %dma_wait3A_181 = arith.constant 0 : i32
        %dma_wait3A_182 = tpu.memref_slice %arg9[%dma_wait3A_180, %dma_wait3A_181] : memref<10112x128xf32, #tpu.memory_space<vmem_shared>> -> memref<10112x128xf32, #tpu.memory_space<vmem_shared>>
        tpu.wait_indirect_dma semaphore(%run_scoped3A_162 : memref<!tpu.dma_semaphore, #tpu.memory_space<semaphore_mem>>) src(%dma_wait3A_176 : memref<128x128xf32, #tpu.memory_space<vmem>>) dst(%dma_wait3A_182 : memref<10112x128xf32, #tpu.memory_space<vmem_shared>>)
        tpu.yield
      }) : () -> ()
      %add3A_156 = arith.constant 2 : i32
      %add3A_157 = arith.addi %while3A_110, %add3A_156 : i32
      %lt3A_158 = arith.cmpi slt, %add3A_157, %select_n3A : i32
      %convert_element_type3A_159 = arith.extui %lt3A_158 : i1 to i32
      %cond3A_160 = arith.constant 0 : i32
      %cond3A_161 = arith.cmpi ne, %convert_element_type3A_159, %cond3A_160 : i32
      scf.if %cond3A_161 {
        %add3A_162 = arith.constant 2 : i32
        %add3A_163 = arith.addi %while3A_110, %add3A_162 : i32
        %dma_start3A_164 = arith.constant 0 : i32
        %dma_start3A_165 = arith.constant 0 : i32
        %dma_start3A_166 = tpu.memref_slice %arg7[%rem3A_111, %dma_start3A_164, %dma_start3A_165] : memref<2x1x128xi32, #tpu.memory_space<vmem>> -> memref<1x1x128xi32, #tpu.memory_space<vmem>>
        %dma_start3A_167 = tpu.memref_squeeze %dma_start3A_166 : memref<1x1x128xi32, #tpu.memory_space<vmem>> -> memref<1x128xi32, #tpu.memory_space<vmem>>
        %dma_start3A_168 = arith.constant 0 : i32
        %dma_start3A_169 = arith.constant 0 : i32
        %dma_start3A_170 = arith.constant 0 : i32
        %dma_start3A_171 = tpu.memref_slice %arg4[%add3A, %dma_start3A_168, %dma_start3A_169, %dma_start3A_170] : memref<32x79x1x128xi32, #tpu.memory_space<hbm>> -> memref<1x79x1x128xi32, #tpu.memory_space<hbm>>
        %dma_start3A_172 = tpu.memref_squeeze %dma_start3A_171 : memref<1x79x1x128xi32, #tpu.memory_space<hbm>> -> memref<79x1x128xi32, #tpu.memory_space<hbm>>
        %dma_start3A_173 = arith.constant 0 : i32
        %dma_start3A_174 = arith.constant 0 : i32
        %dma_start3A_175 = tpu.memref_slice %dma_start3A_172[%add3A_163, %dma_start3A_173, %dma_start3A_174] : memref<79x1x128xi32, #tpu.memory_space<hbm>> -> memref<1x1x128xi32, #tpu.memory_space<hbm>>
        %dma_start3A_176 = tpu.memref_squeeze %dma_start3A_175 : memref<1x1x128xi32, #tpu.memory_space<hbm>> -> memref<1x128xi32, #tpu.memory_space<hbm>>
        %dma_start3A_177 = tpu.memref_slice %arg11[%rem3A_111] : memref<2x!tpu.dma_semaphore, #tpu.memory_space<semaphore_mem>> -> memref<1x!tpu.dma_semaphore, #tpu.memory_space<semaphore_mem>>
        %dma_start3A_178 = tpu.memref_squeeze %dma_start3A_177 : memref<1x!tpu.dma_semaphore, #tpu.memory_space<semaphore_mem>> -> memref<!tpu.dma_semaphore, #tpu.memory_space<semaphore_mem>>
        %dma_start3A_179 = arith.constant 0 : i32
        %dma_start3A_180 = arith.constant 0 : i32
        %dma_start3A_181 = tpu.memref_slice %arg7[%rem3A_111, %dma_start3A_179, %dma_start3A_180] : memref<2x1x128xi32, #tpu.memory_space<vmem>> -> memref<1x1x128xi32, #tpu.memory_space<vmem>>
        %dma_start3A_182 = tpu.memref_squeeze %dma_start3A_181 : memref<1x1x128xi32, #tpu.memory_space<vmem>> -> memref<1x128xi32, #tpu.memory_space<vmem>>
        %dma_start3A_183 = arith.constant 0 : i32
        %dma_start3A_184 = arith.constant 0 : i32
        %dma_start3A_185 = arith.constant 0 : i32
        %dma_start3A_186 = tpu.memref_slice %arg4[%add3A, %dma_start3A_183, %dma_start3A_184, %dma_start3A_185] : memref<32x79x1x128xi32, #tpu.memory_space<hbm>> -> memref<1x79x1x128xi32, #tpu.memory_space<hbm>>
        %dma_start3A_187 = tpu.memref_squeeze %dma_start3A_186 : memref<1x79x1x128xi32, #tpu.memory_space<hbm>> -> memref<79x1x128xi32, #tpu.memory_space<hbm>>
        %dma_start3A_188 = arith.constant 0 : i32
        %dma_start3A_189 = arith.constant 0 : i32
        %dma_start3A_190 = tpu.memref_slice %dma_start3A_187[%add3A_163, %dma_start3A_188, %dma_start3A_189] : memref<79x1x128xi32, #tpu.memory_space<hbm>> -> memref<1x1x128xi32, #tpu.memory_space<hbm>>
        %dma_start3A_191 = tpu.memref_squeeze %dma_start3A_190 : memref<1x1x128xi32, #tpu.memory_space<hbm>> -> memref<1x128xi32, #tpu.memory_space<hbm>>
        tpu.enqueue_dma source(%dma_start3A_191 : memref<1x128xi32, #tpu.memory_space<hbm>>) target(%dma_start3A_182 : memref<1x128xi32, #tpu.memory_space<vmem>>) target_semaphore(%dma_start3A_178 : memref<!tpu.dma_semaphore, #tpu.memory_space<semaphore_mem>>)
      } else {
      }
    }
    %while3A_108 = arith.constant 1 : i32
    scf.for %while3A_110 = %while3A_106 to %while3A_102 step %while3A_108  : i32 {
      %rem3A = arith.constant 2 : i32
      %rem3A_111 = arith.remsi %while3A_110, %rem3A : i32
      %sub3A = arith.constant 1 : i32
      %sub3A_112 = arith.subi %sub3A, %rem3A_111 : i32
      %dma_wait3A = arith.constant 0 : i32
      %dma_wait3A_113 = arith.constant 0 : i32
      %dma_wait3A_114 = tpu.memref_slice %arg8[%rem3A_111, %dma_wait3A, %dma_wait3A_113] : memref<2x128x128xf32, #tpu.memory_space<vmem>> -> memref<1x128x128xf32, #tpu.memory_space<vmem>>
      %dma_wait3A_115 = tpu.memref_squeeze %dma_wait3A_114 : memref<1x128x128xf32, #tpu.memory_space<vmem>> -> memref<128x128xf32, #tpu.memory_space<vmem>>
      %dma_wait3A_116 = arith.constant 0 : i32
      %dma_wait3A_117 = tpu.memref_slice %arg6[%while3A_110, %dma_wait3A_116] : memref<79x128xi32, #tpu.memory_space<vmem>> -> memref<1x128xi32, #tpu.memory_space<vmem>>
      %dma_wait3A_118 = tpu.memref_squeeze %dma_wait3A_117 : memref<1x128xi32, #tpu.memory_space<vmem>> -> memref<128xi32, #tpu.memory_space<vmem>>
      %dma_wait3A_119 = arith.constant 0 : i32
      %dma_wait3A_120 = arith.constant 0 : i32
      %dma_wait3A_121 = tpu.memref_slice %arg2[%dma_wait3A_119, %dma_wait3A_120] : memref<10000x128xf32, #tpu.memory_space<hbm>> -> memref<10000x128xf32, #tpu.memory_space<hbm>>
      %dma_wait3A_122 = tpu.memref_slice %arg10[%rem3A_111] : memref<2x!tpu.dma_semaphore, #tpu.memory_space<semaphore_mem>> -> memref<1x!tpu.dma_semaphore, #tpu.memory_space<semaphore_mem>>
      %dma_wait3A_123 = tpu.memref_squeeze %dma_wait3A_122 : memref<1x!tpu.dma_semaphore, #tpu.memory_space<semaphore_mem>> -> memref<!tpu.dma_semaphore, #tpu.memory_space<semaphore_mem>>
      tpu.wait_indirect_dma semaphore(%dma_wait3A_123 : memref<!tpu.dma_semaphore, #tpu.memory_space<semaphore_mem>>) src(%dma_wait3A_121 : memref<10000x128xf32, #tpu.memory_space<hbm>>) dst(%dma_wait3A_115 : memref<128x128xf32, #tpu.memory_space<vmem>>)
      %add3A_124 = arith.constant 1 : i32
      %add3A_125 = arith.addi %while3A_110, %add3A_124 : i32
      %lt3A = arith.cmpi slt, %add3A_125, %select_n3A : i32
      %convert_element_type3A = arith.extui %lt3A : i1 to i32
      %cond3A = arith.constant 0 : i32
      %cond3A_126 = arith.cmpi ne, %convert_element_type3A, %cond3A : i32
      scf.if %cond3A_126 {
        %add3A_162 = arith.constant 1 : i32
        %add3A_163 = arith.addi %while3A_110, %add3A_162 : i32
        %dma_start3A_164 = arith.constant 0 : i32
        %dma_start3A_165 = arith.constant 0 : i32
        %dma_start3A_166 = tpu.memref_slice %arg8[%sub3A_112, %dma_start3A_164, %dma_start3A_165] : memref<2x128x128xf32, #tpu.memory_space<vmem>> -> memref<1x128x128xf32, #tpu.memory_space<vmem>>
        %dma_start3A_167 = tpu.memref_squeeze %dma_start3A_166 : memref<1x128x128xf32, #tpu.memory_space<vmem>> -> memref<128x128xf32, #tpu.memory_space<vmem>>
        %dma_start3A_168 = arith.constant 0 : i32
        %dma_start3A_169 = tpu.memref_slice %arg6[%add3A_163, %dma_start3A_168] : memref<79x128xi32, #tpu.memory_space<vmem>> -> memref<1x128xi32, #tpu.memory_space<vmem>>
        %dma_start3A_170 = tpu.memref_squeeze %dma_start3A_169 : memref<1x128xi32, #tpu.memory_space<vmem>> -> memref<128xi32, #tpu.memory_space<vmem>>
        %dma_start3A_171 = arith.constant 0 : i32
        %dma_start3A_172 = arith.constant 0 : i32
        %dma_start3A_173 = tpu.memref_slice %arg2[%dma_start3A_171, %dma_start3A_172] : memref<10000x128xf32, #tpu.memory_space<hbm>> -> memref<10000x128xf32, #tpu.memory_space<hbm>>
        %dma_start3A_174 = tpu.memref_slice %arg10[%sub3A_112] : memref<2x!tpu.dma_semaphore, #tpu.memory_space<semaphore_mem>> -> memref<1x!tpu.dma_semaphore, #tpu.memory_space<semaphore_mem>>
        %dma_start3A_175 = tpu.memref_squeeze %dma_start3A_174 : memref<1x!tpu.dma_semaphore, #tpu.memory_space<semaphore_mem>> -> memref<!tpu.dma_semaphore, #tpu.memory_space<semaphore_mem>>
        tpu.enqueue_indirect_dma source(%dma_start3A_173 : memref<10000x128xf32, #tpu.memory_space<hbm>>) target(%dma_start3A_167 : memref<128x128xf32, #tpu.memory_space<vmem>>) offsets(%dma_start3A_170 : memref<128xi32, #tpu.memory_space<vmem>>) semaphore(%dma_start3A_175 : memref<!tpu.dma_semaphore, #tpu.memory_space<semaphore_mem>>)
      } else {
      }
      %dma_wait3A_127 = arith.constant 0 : i32
      %dma_wait3A_128 = arith.constant 0 : i32
      %dma_wait3A_129 = tpu.memref_slice %arg7[%rem3A_111, %dma_wait3A_127, %dma_wait3A_128] : memref<2x1x128xi32, #tpu.memory_space<vmem>> -> memref<1x1x128xi32, #tpu.memory_space<vmem>>
      %dma_wait3A_130 = tpu.memref_squeeze %dma_wait3A_129 : memref<1x1x128xi32, #tpu.memory_space<vmem>> -> memref<1x128xi32, #tpu.memory_space<vmem>>
      %dma_wait3A_131 = arith.constant 0 : i32
      %dma_wait3A_132 = arith.constant 0 : i32
      %dma_wait3A_133 = arith.constant 0 : i32
      %dma_wait3A_134 = tpu.memref_slice %arg4[%add3A, %dma_wait3A_131, %dma_wait3A_132, %dma_wait3A_133] : memref<32x79x1x128xi32, #tpu.memory_space<hbm>> -> memref<1x79x1x128xi32, #tpu.memory_space<hbm>>
      %dma_wait3A_135 = tpu.memref_squeeze %dma_wait3A_134 : memref<1x79x1x128xi32, #tpu.memory_space<hbm>> -> memref<79x1x128xi32, #tpu.memory_space<hbm>>
      %dma_wait3A_136 = arith.constant 0 : i32
      %dma_wait3A_137 = arith.constant 0 : i32
      %dma_wait3A_138 = tpu.memref_slice %dma_wait3A_135[%while3A_110, %dma_wait3A_136, %dma_wait3A_137] : memref<79x1x128xi32, #tpu.memory_space<hbm>> -> memref<1x1x128xi32, #tpu.memory_space<hbm>>
      %dma_wait3A_139 = tpu.memref_squeeze %dma_wait3A_138 : memref<1x1x128xi32, #tpu.memory_space<hbm>> -> memref<1x128xi32, #tpu.memory_space<hbm>>
      %dma_wait3A_140 = tpu.memref_slice %arg11[%rem3A_111] : memref<2x!tpu.dma_semaphore, #tpu.memory_space<semaphore_mem>> -> memref<1x!tpu.dma_semaphore, #tpu.memory_space<semaphore_mem>>
      %dma_wait3A_141 = tpu.memref_squeeze %dma_wait3A_140 : memref<1x!tpu.dma_semaphore, #tpu.memory_space<semaphore_mem>> -> memref<!tpu.dma_semaphore, #tpu.memory_space<semaphore_mem>>
      %dma_wait3A_142 = arith.constant 0 : i32
      %dma_wait3A_143 = arith.constant 0 : i32
      %dma_wait3A_144 = tpu.memref_slice %arg7[%rem3A_111, %dma_wait3A_142, %dma_wait3A_143] : memref<2x1x128xi32, #tpu.memory_space<vmem>> -> memref<1x1x128xi32, #tpu.memory_space<vmem>>
      %dma_wait3A_145 = tpu.memref_squeeze %dma_wait3A_144 : memref<1x1x128xi32, #tpu.memory_space<vmem>> -> memref<1x128xi32, #tpu.memory_space<vmem>>
      %dma_wait3A_146 = arith.constant 0 : i32
      %dma_wait3A_147 = arith.constant 0 : i32
      %dma_wait3A_148 = arith.constant 0 : i32
      %dma_wait3A_149 = tpu.memref_slice %arg4[%add3A, %dma_wait3A_146, %dma_wait3A_147, %dma_wait3A_148] : memref<32x79x1x128xi32, #tpu.memory_space<hbm>> -> memref<1x79x1x128xi32, #tpu.memory_space<hbm>>
      %dma_wait3A_150 = tpu.memref_squeeze %dma_wait3A_149 : memref<1x79x1x128xi32, #tpu.memory_space<hbm>> -> memref<79x1x128xi32, #tpu.memory_space<hbm>>
      %dma_wait3A_151 = arith.constant 0 : i32
      %dma_wait3A_152 = arith.constant 0 : i32
      %dma_wait3A_153 = tpu.memref_slice %dma_wait3A_150[%while3A_110, %dma_wait3A_151, %dma_wait3A_152] : memref<79x1x128xi32, #tpu.memory_space<hbm>> -> memref<1x1x128xi32, #tpu.memory_space<hbm>>
      %dma_wait3A_154 = tpu.memref_squeeze %dma_wait3A_153 : memref<1x1x128xi32, #tpu.memory_space<hbm>> -> memref<1x128xi32, #tpu.memory_space<hbm>>
      tpu.wait_dma2 semaphore(%dma_wait3A_141 : memref<!tpu.dma_semaphore, #tpu.memory_space<semaphore_mem>>) src(%dma_wait3A_154 : memref<1x128xi32, #tpu.memory_space<hbm>>) dst(%dma_wait3A_145 : memref<1x128xi32, #tpu.memory_space<vmem>>)
      %run_scoped3A_155 = arith.constant 0 : i32
      "tpu.region"() ({
        %run_scoped3A_162 = tpu.sem_alloc : memref<!tpu.dma_semaphore, #tpu.memory_space<semaphore_mem>>
        %dma_start3A_163 = arith.constant 0 : i32
        %dma_start3A_164 = arith.constant 0 : i32
        %dma_start3A_165 = tpu.memref_slice %arg8[%rem3A_111, %dma_start3A_163, %dma_start3A_164] : memref<2x128x128xf32, #tpu.memory_space<vmem>> -> memref<1x128x128xf32, #tpu.memory_space<vmem>>
        %dma_start3A_166 = tpu.memref_squeeze %dma_start3A_165 : memref<1x128x128xf32, #tpu.memory_space<vmem>> -> memref<128x128xf32, #tpu.memory_space<vmem>>
        %dma_start3A_167 = arith.constant 0 : i32
        %dma_start3A_168 = tpu.memref_slice %arg7[%rem3A_111, %run_scoped3A_155, %dma_start3A_167] : memref<2x1x128xi32, #tpu.memory_space<vmem>> -> memref<1x1x128xi32, #tpu.memory_space<vmem>>
        %dma_start3A_169 = tpu.memref_squeeze %dma_start3A_168 : memref<1x1x128xi32, #tpu.memory_space<vmem>> -> memref<128xi32, #tpu.memory_space<vmem>>
        %dma_start3A_170 = arith.constant 0 : i32
        %dma_start3A_171 = arith.constant 0 : i32
        %dma_start3A_172 = tpu.memref_slice %arg9[%dma_start3A_170, %dma_start3A_171] : memref<10112x128xf32, #tpu.memory_space<vmem_shared>> -> memref<10112x128xf32, #tpu.memory_space<vmem_shared>>
        tpu.enqueue_indirect_dma source(%dma_start3A_166 : memref<128x128xf32, #tpu.memory_space<vmem>>) target(%dma_start3A_172 : memref<10112x128xf32, #tpu.memory_space<vmem_shared>>) offsets(%dma_start3A_169 : memref<128xi32, #tpu.memory_space<vmem>>) semaphore(%run_scoped3A_162 : memref<!tpu.dma_semaphore, #tpu.memory_space<semaphore_mem>>) {add = true}
        %dma_wait3A_173 = arith.constant 0 : i32
        %dma_wait3A_174 = arith.constant 0 : i32
        %dma_wait3A_175 = tpu.memref_slice %arg8[%rem3A_111, %dma_wait3A_173, %dma_wait3A_174] : memref<2x128x128xf32, #tpu.memory_space<vmem>> -> memref<1x128x128xf32, #tpu.memory_space<vmem>>
        %dma_wait3A_176 = tpu.memref_squeeze %dma_wait3A_175 : memref<1x128x128xf32, #tpu.memory_space<vmem>> -> memref<128x128xf32, #tpu.memory_space<vmem>>
        %dma_wait3A_177 = arith.constant 0 : i32
        %dma_wait3A_178 = tpu.memref_slice %arg7[%rem3A_111, %run_scoped3A_155, %dma_wait3A_177] : memref<2x1x128xi32, #tpu.memory_space<vmem>> -> memref<1x1x128xi32, #tpu.memory_space<vmem>>
        %dma_wait3A_179 = tpu.memref_squeeze %dma_wait3A_178 : memref<1x1x128xi32, #tpu.memory_space<vmem>> -> memref<128xi32, #tpu.memory_space<vmem>>
        %dma_wait3A_180 = arith.constant 0 : i32
        %dma_wait3A_181 = arith.constant 0 : i32
        %dma_wait3A_182 = tpu.memref_slice %arg9[%dma_wait3A_180, %dma_wait3A_181] : memref<10112x128xf32, #tpu.memory_space<vmem_shared>> -> memref<10112x128xf32, #tpu.memory_space<vmem_shared>>
        tpu.wait_indirect_dma semaphore(%run_scoped3A_162 : memref<!tpu.dma_semaphore, #tpu.memory_space<semaphore_mem>>) src(%dma_wait3A_176 : memref<128x128xf32, #tpu.memory_space<vmem>>) dst(%dma_wait3A_182 : memref<10112x128xf32, #tpu.memory_space<vmem_shared>>)
        tpu.yield
      }) : () -> ()
      %add3A_156 = arith.constant 2 : i32
      %add3A_157 = arith.addi %while3A_110, %add3A_156 : i32
      %lt3A_158 = arith.cmpi slt, %add3A_157, %select_n3A : i32
      %convert_element_type3A_159 = arith.extui %lt3A_158 : i1 to i32
      %cond3A_160 = arith.constant 0 : i32
      %cond3A_161 = arith.cmpi ne, %convert_element_type3A_159, %cond3A_160 : i32
      scf.if %cond3A_161 {
        %add3A_162 = arith.constant 2 : i32
        %add3A_163 = arith.addi %while3A_110, %add3A_162 : i32
        %dma_start3A_164 = arith.constant 0 : i32
        %dma_start3A_165 = arith.constant 0 : i32
        %dma_start3A_166 = tpu.memref_slice %arg7[%rem3A_111, %dma_start3A_164, %dma_start3A_165] : memref<2x1x128xi32, #tpu.memory_space<vmem>> -> memref<1x1x128xi32, #tpu.memory_space<vmem>>
        %dma_start3A_167 = tpu.memref_squeeze %dma_start3A_166 : memref<1x1x128xi32, #tpu.memory_space<vmem>> -> memref<1x128xi32, #tpu.memory_space<vmem>>
        %dma_start3A_168 = arith.constant 0 : i32
        %dma_start3A_169 = arith.constant 0 : i32
        %dma_start3A_170 = arith.constant 0 : i32
        %dma_start3A_171 = tpu.memref_slice %arg4[%add3A, %dma_start3A_168, %dma_start3A_169, %dma_start3A_170] : memref<32x79x1x128xi32, #tpu.memory_space<hbm>> -> memref<1x79x1x128xi32, #tpu.memory_space<hbm>>
        %dma_start3A_172 = tpu.memref_squeeze %dma_start3A_171 : memref<1x79x1x128xi32, #tpu.memory_space<hbm>> -> memref<79x1x128xi32, #tpu.memory_space<hbm>>
        %dma_start3A_173 = arith.constant 0 : i32
        %dma_start3A_174 = arith.constant 0 : i32
        %dma_start3A_175 = tpu.memref_slice %dma_start3A_172[%add3A_163, %dma_start3A_173, %dma_start3A_174] : memref<79x1x128xi32, #tpu.memory_space<hbm>> -> memref<1x1x128xi32, #tpu.memory_space<hbm>>
        %dma_start3A_176 = tpu.memref_squeeze %dma_start3A_175 : memref<1x1x128xi32, #tpu.memory_space<hbm>> -> memref<1x128xi32, #tpu.memory_space<hbm>>
        %dma_start3A_177 = tpu.memref_slice %arg11[%rem3A_111] : memref<2x!tpu.dma_semaphore, #tpu.memory_space<semaphore_mem>> -> memref<1x!tpu.dma_semaphore, #tpu.memory_space<semaphore_mem>>
        %dma_start3A_178 = tpu.memref_squeeze %dma_start3A_177 : memref<1x!tpu.dma_semaphore, #tpu.memory_space<semaphore_mem>> -> memref<!tpu.dma_semaphore, #tpu.memory_space<semaphore_mem>>
        %dma_start3A_179 = arith.constant 0 : i32
        %dma_start3A_180 = arith.constant 0 : i32
        %dma_start3A_181 = tpu.memref_slice %arg7[%rem3A_111, %dma_start3A_179, %dma_start3A_180] : memref<2x1x128xi32, #tpu.memory_space<vmem>> -> memref<1x1x128xi32, #tpu.memory_space<vmem>>
        %dma_start3A_182 = tpu.memref_squeeze %dma_start3A_181 : memref<1x1x128xi32, #tpu.memory_space<vmem>> -> memref<1x128xi32, #tpu.memory_space<vmem>>
        %dma_start3A_183 = arith.constant 0 : i32
        %dma_start3A_184 = arith.constant 0 : i32
        %dma_start3A_185 = arith.constant 0 : i32
        %dma_start3A_186 = tpu.memref_slice %arg4[%add3A, %dma_start3A_183, %dma_start3A_184, %dma_start3A_185] : memref<32x79x1x128xi32, #tpu.memory_space<hbm>> -> memref<1x79x1x128xi32, #tpu.memory_space<hbm>>
        %dma_start3A_187 = tpu.memref_squeeze %dma_start3A_186 : memref<1x79x1x128xi32, #tpu.memory_space<hbm>> -> memref<79x1x128xi32, #tpu.memory_space<hbm>>
        %dma_start3A_188 = arith.constant 0 : i32
        %dma_start3A_189 = arith.constant 0 : i32
        %dma_start3A_190 = tpu.memref_slice %dma_start3A_187[%add3A_163, %dma_start3A_188, %dma_start3A_189] : memref<79x1x128xi32, #tpu.memory_space<hbm>> -> memref<1x1x128xi32, #tpu.memory_space<hbm>>
        %dma_start3A_191 = tpu.memref_squeeze %dma_start3A_190 : memref<1x1x128xi32, #tpu.memory_space<hbm>> -> memref<1x128xi32, #tpu.memory_space<hbm>>
        tpu.enqueue_dma source(%dma_start3A_191 : memref<1x128xi32, #tpu.memory_space<hbm>>) target(%dma_start3A_182 : memref<1x128xi32, #tpu.memory_space<vmem>>) target_semaphore(%dma_start3A_178 : memref<!tpu.dma_semaphore, #tpu.memory_space<semaphore_mem>>)
      } else {
      }
    }
    %barrier3A_109 = arith.constant 0 : index
    tpu.barrier barrier_id(%barrier3A_109)
    "tpu.region"() ({
      %run_scoped3A_110 = tpu.sem_alloc : memref<!tpu.dma_semaphore, #tpu.memory_space<semaphore_mem>>
      %dma_start3A_111 = arith.constant 0 : i32
      %dma_start3A_112 = arith.constant 0 : i32
      %dma_start3A_113 = tpu.memref_slice %arg5[%arg0, %dma_start3A_111, %dma_start3A_112] : memref<2x10112x128xf32, #tpu.memory_space<hbm>> -> memref<1x10112x128xf32, #tpu.memory_space<hbm>>
      %dma_start3A_114 = tpu.memref_squeeze %dma_start3A_113 : memref<1x10112x128xf32, #tpu.memory_space<hbm>> -> memref<10112x128xf32, #tpu.memory_space<hbm>>
      %dma_start3A_115 = arith.constant 0 : i32
      %dma_start3A_116 = tpu.memref_slice %dma_start3A_114[%mul3A_9, %dma_start3A_115] : memref<10112x128xf32, #tpu.memory_space<hbm>> -> memref<632x128xf32, #tpu.memory_space<hbm>>
      %dma_start3A_117 = arith.constant 0 : i32
      %dma_start3A_118 = tpu.memref_slice %arg9[%mul3A_9, %dma_start3A_117] : memref<10112x128xf32, #tpu.memory_space<vmem_shared>> -> memref<632x128xf32, #tpu.memory_space<vmem_shared>>
      tpu.enqueue_dma source(%dma_start3A_118 : memref<632x128xf32, #tpu.memory_space<vmem_shared>>) target(%dma_start3A_116 : memref<632x128xf32, #tpu.memory_space<hbm>>) target_semaphore(%run_scoped3A_110 : memref<!tpu.dma_semaphore, #tpu.memory_space<semaphore_mem>>)
      %dma_wait3A = arith.constant 0 : i32
      %dma_wait3A_119 = arith.constant 0 : i32
      %dma_wait3A_120 = tpu.memref_slice %arg5[%arg0, %dma_wait3A, %dma_wait3A_119] : memref<2x10112x128xf32, #tpu.memory_space<hbm>> -> memref<1x10112x128xf32, #tpu.memory_space<hbm>>
      %dma_wait3A_121 = tpu.memref_squeeze %dma_wait3A_120 : memref<1x10112x128xf32, #tpu.memory_space<hbm>> -> memref<10112x128xf32, #tpu.memory_space<hbm>>
      %dma_wait3A_122 = arith.constant 0 : i32
      %dma_wait3A_123 = tpu.memref_slice %dma_wait3A_121[%mul3A_9, %dma_wait3A_122] : memref<10112x128xf32, #tpu.memory_space<hbm>> -> memref<632x128xf32, #tpu.memory_space<hbm>>
      %dma_wait3A_124 = arith.constant 0 : i32
      %dma_wait3A_125 = tpu.memref_slice %arg9[%mul3A_9, %dma_wait3A_124] : memref<10112x128xf32, #tpu.memory_space<vmem_shared>> -> memref<632x128xf32, #tpu.memory_space<vmem_shared>>
      tpu.wait_dma2 semaphore(%run_scoped3A_110 : memref<!tpu.dma_semaphore, #tpu.memory_space<semaphore_mem>>) src(%dma_wait3A_125 : memref<632x128xf32, #tpu.memory_space<vmem_shared>>) dst(%dma_wait3A_123 : memref<632x128xf32, #tpu.memory_space<hbm>>)
      tpu.yield
    }) : () -> ()
    return
  }
}

module attributes {stable_mosaic.version = 14 : i64} {
  func.func @_phase_a_body(%arg0: i32, %arg1: memref<1000x128xf32, #tpu.memory_space<vmem>>, %arg2: memref<128x128xf32, #tpu.memory_space<vmem>>, %arg3: memref<1x128xf32, #tpu.memory_space<vmem>>, %arg4: memref<1000x128xf32, #tpu.memory_space<vmem>>) attributes {dimension_semantics = [#tpu.dimension_semantics<arbitrary>], iteration_bounds = array<i64: 10>, scalar_prefetch = 0 : i64, scratch_operands = 0 : i64, tpu.core_type = #tpu.core_type<tc>, window_params = [{transform_indices = @transform_0, window_bounds = array<i64: 1000, 128>}, {pipeline_mode = #tpu.pipeline_mode<synchronous>, transform_indices = @transform_1, window_bounds = array<i64: 128, 128>}, {pipeline_mode = #tpu.pipeline_mode<synchronous>, transform_indices = @transform_2, window_bounds = array<i64: 1, 128>}, {transform_indices = @transform_3, window_bounds = array<i64: 1000, 128>}]} {
    %get3A = arith.constant 0 : index
    %get3A_0 = arith.constant 0 : index
    %get3A_1 = vector.load %arg1[%get3A, %get3A_0] : memref<1000x128xf32, #tpu.memory_space<vmem>>, vector<1000x128xf32>
    %get3A_2 = arith.constant 0 : index
    %get3A_3 = arith.constant 0 : index
    %get3A_4 = vector.load %arg2[%get3A_2, %get3A_3] : memref<128x128xf32, #tpu.memory_space<vmem>>, vector<128x128xf32>
    %dot_general3A = arith.constant dense<0.000000e+00> : vector<1000x128xf32>
    %dot_general3A_5 = tpu.matmul %get3A_1, %get3A_4, %dot_general3A {dimension_numbers = #tpu.dot_dimension_numbers<[1], [0], [0], [1], [0, 0, 1, 1], [], []>, transpose_lhs_hint = false} : vector<1000x128xf32>, vector<128x128xf32>, vector<1000x128xf32> -> vector<1000x128xf32>
    %mul3A = arith.mulf %get3A_1, %get3A_1 : vector<1000x128xf32>
    %reduce_sum3A = arith.constant dense<0.000000e+00> : vector<1000xf32>
    %reduce_sum3A_6 = vector.multi_reduction <add>, %mul3A, %reduce_sum3A [1] : vector<1000x128xf32> to vector<1000xf32>
    %broadcast_in_dim3A = vector.shape_cast %reduce_sum3A_6 : vector<1000xf32> to vector<1000x1xf32>
    %sqrt3A = math.sqrt %broadcast_in_dim3A : vector<1000x1xf32>
    %max3A = arith.constant 1.000000e-15 : f32
    %max3A_7 = vector.broadcast %max3A : f32 to vector<1000x1xf32>
    %max3A_8 = arith.maximumf %sqrt3A, %max3A_7 : vector<1000x1xf32>
    %mul3A_9 = arith.mulf %dot_general3A_5, %dot_general3A_5 : vector<1000x128xf32>
    %reduce_sum3A_10 = arith.constant dense<0.000000e+00> : vector<1000xf32>
    %reduce_sum3A_11 = vector.multi_reduction <add>, %mul3A_9, %reduce_sum3A_10 [1] : vector<1000x128xf32> to vector<1000xf32>
    %broadcast_in_dim3A_12 = vector.shape_cast %reduce_sum3A_11 : vector<1000xf32> to vector<1000x1xf32>
    %sqrt3A_13 = math.sqrt %broadcast_in_dim3A_12 : vector<1000x1xf32>
    %max3A_14 = arith.constant 1.000000e-15 : f32
    %max3A_15 = vector.broadcast %max3A_14 : f32 to vector<1000x1xf32>
    %max3A_16 = arith.maximumf %sqrt3A_13, %max3A_15 : vector<1000x1xf32>
    %div3A = arith.divf %max3A_16, %max3A_8 : vector<1000x1xf32>
    %jit3A = arith.constant -0.99999988 : f32
    %jit3A_17 = arith.constant 0.99999988 : f32
    %max3A_18 = vector.broadcast %jit3A : f32 to vector<1000x1xf32>
    %max3A_19 = arith.maximumf %max3A_18, %max3A_8 : vector<1000x1xf32>
    %min3A = vector.broadcast %jit3A_17 : f32 to vector<1000x1xf32>
    %min3A_20 = arith.minimumf %min3A, %max3A_19 : vector<1000x1xf32>
    %add3A = arith.constant 1.000000e+00 : f32
    %add3A_21 = vector.broadcast %add3A : f32 to vector<1000x1xf32>
    %add3A_22 = arith.addf %add3A_21, %min3A_20 : vector<1000x1xf32>
    %sub3A = arith.constant 1.000000e+00 : f32
    %sub3A_23 = vector.broadcast %sub3A : f32 to vector<1000x1xf32>
    %sub3A_24 = arith.subf %sub3A_23, %min3A_20 : vector<1000x1xf32>
    %div3A_25 = arith.divf %add3A_22, %sub3A_24 : vector<1000x1xf32>
    %log3A = math.log %div3A_25 : vector<1000x1xf32>
    %mul3A_26 = arith.constant 5.000000e-01 : f32
    %mul3A_27 = vector.broadcast %mul3A_26 : f32 to vector<1000x1xf32>
    %mul3A_28 = arith.mulf %mul3A_27, %log3A : vector<1000x1xf32>
    %mul3A_29 = arith.mulf %div3A, %mul3A_28 : vector<1000x1xf32>
    %tanh3A = math.tanh %mul3A_29 : vector<1000x1xf32>
    %mul3A_30 = vector.broadcast %tanh3A : vector<1000x1xf32> to vector<1000x128xf32>
    %mul3A_31 = arith.mulf %mul3A_30, %dot_general3A_5 : vector<1000x128xf32>
    %div3A_32 = vector.broadcast %max3A_16 : vector<1000x1xf32> to vector<1000x128xf32>
    %div3A_33 = arith.divf %mul3A_31, %div3A_32 : vector<1000x128xf32>
    %eq3A = arith.constant 0.000000e+00 : f32
    %eq3A_34 = vector.broadcast %eq3A : f32 to vector<1000x128xf32>
    %eq3A_35 = arith.cmpf oeq, %dot_general3A_5, %eq3A_34 : vector<1000x128xf32>
    %reduce_and3A = arith.constant 1.000000e+00 : f32
    %reduce_and3A_36 = arith.constant 0.000000e+00 : f32
    %reduce_and3A_37 = vector.broadcast %reduce_and3A : f32 to vector<1000x128xf32>
    %reduce_and3A_38 = vector.broadcast %reduce_and3A_36 : f32 to vector<1000x128xf32>
    %reduce_and3A_39 = arith.select %eq3A_35, %reduce_and3A_37, %reduce_and3A_38 : vector<1000x128xi1>, vector<1000x128xf32>
    %reduce_and3A_40 = arith.constant dense<0x7F800000> : vector<1000xf32>
    %reduce_and3A_41 = vector.multi_reduction <minimumf>, %reduce_and3A_39, %reduce_and3A_40 [1] : vector<1000x128xf32> to vector<1000xf32>
    %reduce_and3A_42 = arith.constant 0.000000e+00 : f32
    %reduce_and3A_43 = vector.broadcast %reduce_and3A_42 : f32 to vector<1000xf32>
    %reduce_and3A_44 = arith.cmpf ogt, %reduce_and3A_41, %reduce_and3A_43 : vector<1000xf32>
    %broadcast_in_dim3A_45 = vector.shape_cast %reduce_and3A_44 : vector<1000xi1> to vector<1000x1xi1>
    %jit3A_46 = arith.constant 0.000000e+00 : f32
    %broadcast_in_dim3A_47 = vector.shape_cast %broadcast_in_dim3A_45 : vector<1000x1xi1> to vector<1000x1xi1>
    %broadcast_in_dim3A_48 = vector.broadcast %broadcast_in_dim3A_47 : vector<1000x1xi1> to vector<1000x128xi1>
    %broadcast_in_dim3A_49 = vector.broadcast %jit3A_46 : f32 to vector<1000x128xf32>
    %select_n3A = arith.select %broadcast_in_dim3A_48, %broadcast_in_dim3A_49, %div3A_33 : vector<1000x128xi1>, vector<1000x128xf32>
    %mul3A_50 = arith.mulf %select_n3A, %select_n3A : vector<1000x128xf32>
    %reduce_sum3A_51 = arith.constant dense<0.000000e+00> : vector<1000xf32>
    %reduce_sum3A_52 = vector.multi_reduction <add>, %mul3A_50, %reduce_sum3A_51 [1] : vector<1000x128xf32> to vector<1000xf32>
    %broadcast_in_dim3A_53 = vector.shape_cast %reduce_sum3A_52 : vector<1000xf32> to vector<1000x1xf32>
    %sqrt3A_54 = math.sqrt %broadcast_in_dim3A_53 : vector<1000x1xf32>
    %max3A_55 = arith.constant 1.000000e-15 : f32
    %max3A_56 = vector.broadcast %max3A_55 : f32 to vector<1000x1xf32>
    %max3A_57 = arith.maximumf %sqrt3A_54, %max3A_56 : vector<1000x1xf32>
    %gt3A = arith.constant 0.995999991 : f32
    %gt3A_58 = vector.broadcast %gt3A : f32 to vector<1000x1xf32>
    %gt3A_59 = arith.cmpf ogt, %max3A_57, %gt3A_58 : vector<1000x1xf32>
    %div3A_60 = vector.broadcast %max3A_57 : vector<1000x1xf32> to vector<1000x128xf32>
    %div3A_61 = arith.divf %select_n3A, %div3A_60 : vector<1000x128xf32>
    %mul3A_62 = arith.constant 0.995999991 : f32
    %mul3A_63 = vector.broadcast %mul3A_62 : f32 to vector<1000x128xf32>
    %mul3A_64 = arith.mulf %div3A_61, %mul3A_63 : vector<1000x128xf32>
    %broadcast_in_dim3A_65 = vector.shape_cast %gt3A_59 : vector<1000x1xi1> to vector<1000x1xi1>
    %broadcast_in_dim3A_66 = vector.broadcast %broadcast_in_dim3A_65 : vector<1000x1xi1> to vector<1000x128xi1>
    %select_n3A_67 = arith.select %broadcast_in_dim3A_66, %mul3A_64, %select_n3A : vector<1000x128xi1>, vector<1000x128xf32>
    %get3A_68 = arith.constant 0 : index
    %get3A_69 = arith.constant 0 : index
    %get3A_70 = vector.load %arg3[%get3A_68, %get3A_69] : memref<1x128xf32, #tpu.memory_space<vmem>>, vector<1x128xf32>
    %mul3A_71 = arith.mulf %get3A_70, %get3A_70 : vector<1x128xf32>
    %reduce_sum3A_72 = arith.constant dense<0.000000e+00> : vector<1xf32>
    %reduce_sum3A_73 = vector.multi_reduction <add>, %mul3A_71, %reduce_sum3A_72 [1] : vector<1x128xf32> to vector<1xf32>
    %broadcast_in_dim3A_74 = vector.shape_cast %reduce_sum3A_73 : vector<1xf32> to vector<1x1xf32>
    %sqrt3A_75 = math.sqrt %broadcast_in_dim3A_74 : vector<1x1xf32>
    %max3A_76 = arith.constant 1.000000e-15 : f32
    %max3A_77 = vector.broadcast %max3A_76 : f32 to vector<1x1xf32>
    %max3A_78 = arith.maximumf %sqrt3A_75, %max3A_77 : vector<1x1xf32>
    %tanh3A_79 = math.tanh %max3A_78 : vector<1x1xf32>
    %mul3A_80 = vector.broadcast %tanh3A_79 : vector<1x1xf32> to vector<1x128xf32>
    %mul3A_81 = arith.mulf %mul3A_80, %get3A_70 : vector<1x128xf32>
    %div3A_82 = vector.broadcast %max3A_78 : vector<1x1xf32> to vector<1x128xf32>
    %div3A_83 = arith.divf %mul3A_81, %div3A_82 : vector<1x128xf32>
    %mul3A_84 = arith.mulf %div3A_83, %div3A_83 : vector<1x128xf32>
    %reduce_sum3A_85 = arith.constant dense<0.000000e+00> : vector<1xf32>
    %reduce_sum3A_86 = vector.multi_reduction <add>, %mul3A_84, %reduce_sum3A_85 [1] : vector<1x128xf32> to vector<1xf32>
    %broadcast_in_dim3A_87 = vector.shape_cast %reduce_sum3A_86 : vector<1xf32> to vector<1x1xf32>
    %sqrt3A_88 = math.sqrt %broadcast_in_dim3A_87 : vector<1x1xf32>
    %max3A_89 = arith.constant 1.000000e-15 : f32
    %max3A_90 = vector.broadcast %max3A_89 : f32 to vector<1x1xf32>
    %max3A_91 = arith.maximumf %sqrt3A_88, %max3A_90 : vector<1x1xf32>
    %gt3A_92 = arith.constant 0.995999991 : f32
    %gt3A_93 = vector.broadcast %gt3A_92 : f32 to vector<1x1xf32>
    %gt3A_94 = arith.cmpf ogt, %max3A_91, %gt3A_93 : vector<1x1xf32>
    %div3A_95 = vector.broadcast %max3A_91 : vector<1x1xf32> to vector<1x128xf32>
    %div3A_96 = arith.divf %div3A_83, %div3A_95 : vector<1x128xf32>
    %mul3A_97 = arith.constant 0.995999991 : f32
    %mul3A_98 = vector.broadcast %mul3A_97 : f32 to vector<1x128xf32>
    %mul3A_99 = arith.mulf %div3A_96, %mul3A_98 : vector<1x128xf32>
    %broadcast_in_dim3A_100 = vector.shape_cast %gt3A_94 : vector<1x1xi1> to vector<1x1xi1>
    %broadcast_in_dim3A_101 = vector.broadcast %broadcast_in_dim3A_100 : vector<1x1xi1> to vector<1x128xi1>
    %select_n3A_102 = arith.select %broadcast_in_dim3A_101, %mul3A_99, %div3A_83 : vector<1x128xi1>, vector<1x128xf32>
    %mul3A_103 = arith.mulf %select_n3A_67, %select_n3A_67 : vector<1000x128xf32>
    %reduce_sum3A_104 = arith.constant dense<0.000000e+00> : vector<1000xf32>
    %reduce_sum3A_105 = vector.multi_reduction <add>, %mul3A_103, %reduce_sum3A_104 [1] : vector<1000x128xf32> to vector<1000xf32>
    %broadcast_in_dim3A_106 = vector.shape_cast %reduce_sum3A_105 : vector<1000xf32> to vector<1000x1xf32>
    %mul3A_107 = arith.mulf %select_n3A_102, %select_n3A_102 : vector<1x128xf32>
    %reduce_sum3A_108 = arith.constant dense<0.000000e+00> : vector<1xf32>
    %reduce_sum3A_109 = vector.multi_reduction <add>, %mul3A_107, %reduce_sum3A_108 [1] : vector<1x128xf32> to vector<1xf32>
    %broadcast_in_dim3A_110 = vector.shape_cast %reduce_sum3A_109 : vector<1xf32> to vector<1x1xf32>
    %mul3A_111 = vector.broadcast %select_n3A_102 : vector<1x128xf32> to vector<1000x128xf32>
    %mul3A_112 = arith.mulf %select_n3A_67, %mul3A_111 : vector<1000x128xf32>
    %reduce_sum3A_113 = arith.constant dense<0.000000e+00> : vector<1000xf32>
    %reduce_sum3A_114 = vector.multi_reduction <add>, %mul3A_112, %reduce_sum3A_113 [1] : vector<1000x128xf32> to vector<1000xf32>
    %broadcast_in_dim3A_115 = vector.shape_cast %reduce_sum3A_114 : vector<1000xf32> to vector<1000x1xf32>
    %mul3A_116 = arith.constant 2.000000e+00 : f32
    %mul3A_117 = vector.broadcast %mul3A_116 : f32 to vector<1000x1xf32>
    %mul3A_118 = arith.mulf %mul3A_117, %broadcast_in_dim3A_115 : vector<1000x1xf32>
    %add3A_119 = arith.constant 1.000000e+00 : f32
    %add3A_120 = vector.broadcast %add3A_119 : f32 to vector<1000x1xf32>
    %add3A_121 = arith.addf %add3A_120, %mul3A_118 : vector<1000x1xf32>
    %add3A_122 = vector.broadcast %broadcast_in_dim3A_110 : vector<1x1xf32> to vector<1000x1xf32>
    %add3A_123 = arith.addf %add3A_121, %add3A_122 : vector<1000x1xf32>
    %mul3A_124 = vector.broadcast %add3A_123 : vector<1000x1xf32> to vector<1000x128xf32>
    %mul3A_125 = arith.mulf %mul3A_124, %select_n3A_67 : vector<1000x128xf32>
    %sub3A_126 = arith.constant 1.000000e+00 : f32
    %sub3A_127 = vector.broadcast %sub3A_126 : f32 to vector<1000x1xf32>
    %sub3A_128 = arith.subf %sub3A_127, %broadcast_in_dim3A_106 : vector<1000x1xf32>
    %mul3A_129 = vector.broadcast %sub3A_128 : vector<1000x1xf32> to vector<1000x128xf32>
    %mul3A_130 = vector.broadcast %select_n3A_102 : vector<1x128xf32> to vector<1000x128xf32>
    %mul3A_131 = arith.mulf %mul3A_129, %mul3A_130 : vector<1000x128xf32>
    %add3A_132 = arith.addf %mul3A_125, %mul3A_131 : vector<1000x128xf32>
    %mul3A_133 = arith.constant 2.000000e+00 : f32
    %mul3A_134 = vector.broadcast %mul3A_133 : f32 to vector<1000x1xf32>
    %mul3A_135 = arith.mulf %mul3A_134, %broadcast_in_dim3A_115 : vector<1000x1xf32>
    %add3A_136 = arith.constant 1.000000e+00 : f32
    %add3A_137 = vector.broadcast %add3A_136 : f32 to vector<1000x1xf32>
    %add3A_138 = arith.addf %add3A_137, %mul3A_135 : vector<1000x1xf32>
    %mul3A_139 = vector.broadcast %broadcast_in_dim3A_110 : vector<1x1xf32> to vector<1000x1xf32>
    %mul3A_140 = arith.mulf %broadcast_in_dim3A_106, %mul3A_139 : vector<1000x1xf32>
    %add3A_141 = arith.addf %add3A_138, %mul3A_140 : vector<1000x1xf32>
    %max3A_142 = arith.constant 1.000000e-15 : f32
    %max3A_143 = vector.broadcast %max3A_142 : f32 to vector<1000x1xf32>
    %max3A_144 = arith.maximumf %add3A_141, %max3A_143 : vector<1000x1xf32>
    %div3A_145 = vector.broadcast %max3A_144 : vector<1000x1xf32> to vector<1000x128xf32>
    %div3A_146 = arith.divf %add3A_132, %div3A_145 : vector<1000x128xf32>
    %mul3A_147 = arith.mulf %div3A_146, %div3A_146 : vector<1000x128xf32>
    %reduce_sum3A_148 = arith.constant dense<0.000000e+00> : vector<1000xf32>
    %reduce_sum3A_149 = vector.multi_reduction <add>, %mul3A_147, %reduce_sum3A_148 [1] : vector<1000x128xf32> to vector<1000xf32>
    %broadcast_in_dim3A_150 = vector.shape_cast %reduce_sum3A_149 : vector<1000xf32> to vector<1000x1xf32>
    %sqrt3A_151 = math.sqrt %broadcast_in_dim3A_150 : vector<1000x1xf32>
    %max3A_152 = arith.constant 1.000000e-15 : f32
    %max3A_153 = vector.broadcast %max3A_152 : f32 to vector<1000x1xf32>
    %max3A_154 = arith.maximumf %sqrt3A_151, %max3A_153 : vector<1000x1xf32>
    %gt3A_155 = arith.constant 0.995999991 : f32
    %gt3A_156 = vector.broadcast %gt3A_155 : f32 to vector<1000x1xf32>
    %gt3A_157 = arith.cmpf ogt, %max3A_154, %gt3A_156 : vector<1000x1xf32>
    %div3A_158 = vector.broadcast %max3A_154 : vector<1000x1xf32> to vector<1000x128xf32>
    %div3A_159 = arith.divf %div3A_146, %div3A_158 : vector<1000x128xf32>
    %mul3A_160 = arith.constant 0.995999991 : f32
    %mul3A_161 = vector.broadcast %mul3A_160 : f32 to vector<1000x128xf32>
    %mul3A_162 = arith.mulf %div3A_159, %mul3A_161 : vector<1000x128xf32>
    %broadcast_in_dim3A_163 = vector.shape_cast %gt3A_157 : vector<1000x1xi1> to vector<1000x1xi1>
    %broadcast_in_dim3A_164 = vector.broadcast %broadcast_in_dim3A_163 : vector<1000x1xi1> to vector<1000x128xi1>
    %select_n3A_165 = arith.select %broadcast_in_dim3A_164, %mul3A_162, %div3A_146 : vector<1000x128xi1>, vector<1000x128xf32>
    %mul3A_166 = arith.mulf %select_n3A_165, %select_n3A_165 : vector<1000x128xf32>
    %reduce_sum3A_167 = arith.constant dense<0.000000e+00> : vector<1000xf32>
    %reduce_sum3A_168 = vector.multi_reduction <add>, %mul3A_166, %reduce_sum3A_167 [1] : vector<1000x128xf32> to vector<1000xf32>
    %broadcast_in_dim3A_169 = vector.shape_cast %reduce_sum3A_168 : vector<1000xf32> to vector<1000x1xf32>
    %sqrt3A_170 = math.sqrt %broadcast_in_dim3A_169 : vector<1000x1xf32>
    %max3A_171 = arith.constant 1.000000e-15 : f32
    %max3A_172 = vector.broadcast %max3A_171 : f32 to vector<1000x1xf32>
    %max3A_173 = arith.maximumf %sqrt3A_170, %max3A_172 : vector<1000x1xf32>
    %jit3A_174 = arith.constant -0.99999988 : f32
    %jit3A_175 = arith.constant 0.99999988 : f32
    %max3A_176 = vector.broadcast %jit3A_174 : f32 to vector<1000x1xf32>
    %max3A_177 = arith.maximumf %max3A_176, %max3A_173 : vector<1000x1xf32>
    %min3A_178 = vector.broadcast %jit3A_175 : f32 to vector<1000x1xf32>
    %min3A_179 = arith.minimumf %min3A_178, %max3A_177 : vector<1000x1xf32>
    %add3A_180 = arith.constant 1.000000e+00 : f32
    %add3A_181 = vector.broadcast %add3A_180 : f32 to vector<1000x1xf32>
    %add3A_182 = arith.addf %add3A_181, %min3A_179 : vector<1000x1xf32>
    %sub3A_183 = arith.constant 1.000000e+00 : f32
    %sub3A_184 = vector.broadcast %sub3A_183 : f32 to vector<1000x1xf32>
    %sub3A_185 = arith.subf %sub3A_184, %min3A_179 : vector<1000x1xf32>
    %div3A_186 = arith.divf %add3A_182, %sub3A_185 : vector<1000x1xf32>
    %log3A_187 = math.log %div3A_186 : vector<1000x1xf32>
    %mul3A_188 = arith.constant 5.000000e-01 : f32
    %mul3A_189 = vector.broadcast %mul3A_188 : f32 to vector<1000x1xf32>
    %mul3A_190 = arith.mulf %mul3A_189, %log3A_187 : vector<1000x1xf32>
    %mul3A_191 = vector.broadcast %mul3A_190 : vector<1000x1xf32> to vector<1000x128xf32>
    %mul3A_192 = arith.mulf %mul3A_191, %select_n3A_165 : vector<1000x128xf32>
    %div3A_193 = vector.broadcast %max3A_173 : vector<1000x1xf32> to vector<1000x128xf32>
    %div3A_194 = arith.divf %mul3A_192, %div3A_193 : vector<1000x128xf32>
    %swap3A = arith.constant 0 : index
    %swap3A_195 = arith.constant 0 : index
    %swap3A_196 = vector.load %arg4[%swap3A, %swap3A_195] : memref<1000x128xf32, #tpu.memory_space<vmem>>, vector<1000x128xf32>
    tpu.vector_store %arg4[%swap3A, %swap3A_195], %div3A_194 {strides = array<i32>} : memref<1000x128xf32, #tpu.memory_space<vmem>>, vector<1000x128xf32>,
    return
  }
  func.func @transform_0(%arg0: i32) -> (i32, i32) {
    %c0_i32 = arith.constant 0 : i32
    %c0_i32_0 = arith.constant 0 : i32
    return %arg0, %c0_i32 : i32, i32
  }
  func.func @transform_1(%arg0: i32) -> (i32, i32) {
    %c0_i32 = arith.constant 0 : i32
    %c0_i32_0 = arith.constant 0 : i32
    %c0_i32_1 = arith.constant 0 : i32
    return %c0_i32, %c0_i32_0 : i32, i32
  }
  func.func @transform_2(%arg0: i32) -> (i32, i32) {
    %c0_i32 = arith.constant 0 : i32
    %c0_i32_0 = arith.constant 0 : i32
    %c0_i32_1 = arith.constant 0 : i32
    return %c0_i32, %c0_i32_0 : i32, i32
  }
  func.func @transform_3(%arg0: i32) -> (i32, i32) {
    %c0_i32 = arith.constant 0 : i32
    %c0_i32_0 = arith.constant 0 : i32
    return %arg0, %c0_i32 : i32, i32
  }
}

module attributes {stable_mosaic.version = 14 : i64} {
  func.func @_phase_c_body(%arg0: i32, %arg1: memref<1000x128xf32, #tpu.memory_space<vmem>>, %arg2: memref<1000x128xf32, #tpu.memory_space<vmem>>, %arg3: memref<1000x128xf32, #tpu.memory_space<vmem>>) attributes {dimension_semantics = [#tpu.dimension_semantics<arbitrary>], iteration_bounds = array<i64: 10>, scalar_prefetch = 0 : i64, scratch_operands = 0 : i64, tpu.core_type = #tpu.core_type<tc>, window_params = [{transform_indices = @transform_0, window_bounds = array<i64: 1000, 128>}, {transform_indices = @transform_1, window_bounds = array<i64: 1000, 128>}, {transform_indices = @transform_2, window_bounds = array<i64: 1000, 128>}]} {
    %get3A = arith.constant 0 : index
    %get3A_0 = arith.constant 0 : index
    %get3A_1 = vector.load %arg1[%get3A, %get3A_0] : memref<1000x128xf32, #tpu.memory_space<vmem>>, vector<1000x128xf32>
    %get3A_2 = arith.constant 0 : index
    %get3A_3 = arith.constant 0 : index
    %get3A_4 = vector.load %arg2[%get3A_2, %get3A_3] : memref<1000x128xf32, #tpu.memory_space<vmem>>, vector<1000x128xf32>
    %add3A = arith.addf %get3A_1, %get3A_4 : vector<1000x128xf32>
    %mul3A = arith.mulf %add3A, %add3A : vector<1000x128xf32>
    %reduce_sum3A = arith.constant dense<0.000000e+00> : vector<1000xf32>
    %reduce_sum3A_5 = vector.multi_reduction <add>, %mul3A, %reduce_sum3A [1] : vector<1000x128xf32> to vector<1000xf32>
    %broadcast_in_dim3A = vector.shape_cast %reduce_sum3A_5 : vector<1000xf32> to vector<1000x1xf32>
    %sqrt3A = math.sqrt %broadcast_in_dim3A : vector<1000x1xf32>
    %max3A = arith.constant 1.000000e-15 : f32
    %max3A_6 = vector.broadcast %max3A : f32 to vector<1000x1xf32>
    %max3A_7 = arith.maximumf %sqrt3A, %max3A_6 : vector<1000x1xf32>
    %tanh3A = math.tanh %max3A_7 : vector<1000x1xf32>
    %mul3A_8 = vector.broadcast %tanh3A : vector<1000x1xf32> to vector<1000x128xf32>
    %mul3A_9 = arith.mulf %mul3A_8, %add3A : vector<1000x128xf32>
    %div3A = vector.broadcast %max3A_7 : vector<1000x1xf32> to vector<1000x128xf32>
    %div3A_10 = arith.divf %mul3A_9, %div3A : vector<1000x128xf32>
    %mul3A_11 = arith.mulf %div3A_10, %div3A_10 : vector<1000x128xf32>
    %reduce_sum3A_12 = arith.constant dense<0.000000e+00> : vector<1000xf32>
    %reduce_sum3A_13 = vector.multi_reduction <add>, %mul3A_11, %reduce_sum3A_12 [1] : vector<1000x128xf32> to vector<1000xf32>
    %broadcast_in_dim3A_14 = vector.shape_cast %reduce_sum3A_13 : vector<1000xf32> to vector<1000x1xf32>
    %sqrt3A_15 = math.sqrt %broadcast_in_dim3A_14 : vector<1000x1xf32>
    %max3A_16 = arith.constant 1.000000e-15 : f32
    %max3A_17 = vector.broadcast %max3A_16 : f32 to vector<1000x1xf32>
    %max3A_18 = arith.maximumf %sqrt3A_15, %max3A_17 : vector<1000x1xf32>
    %gt3A = arith.constant 0.995999991 : f32
    %gt3A_19 = vector.broadcast %gt3A : f32 to vector<1000x1xf32>
    %gt3A_20 = arith.cmpf ogt, %max3A_18, %gt3A_19 : vector<1000x1xf32>
    %div3A_21 = vector.broadcast %max3A_18 : vector<1000x1xf32> to vector<1000x128xf32>
    %div3A_22 = arith.divf %div3A_10, %div3A_21 : vector<1000x128xf32>
    %mul3A_23 = arith.constant 0.995999991 : f32
    %mul3A_24 = vector.broadcast %mul3A_23 : f32 to vector<1000x128xf32>
    %mul3A_25 = arith.mulf %div3A_22, %mul3A_24 : vector<1000x128xf32>
    %broadcast_in_dim3A_26 = vector.shape_cast %gt3A_20 : vector<1000x1xi1> to vector<1000x1xi1>
    %broadcast_in_dim3A_27 = vector.broadcast %broadcast_in_dim3A_26 : vector<1000x1xi1> to vector<1000x128xi1>
    %select_n3A = arith.select %broadcast_in_dim3A_27, %mul3A_25, %div3A_10 : vector<1000x128xi1>, vector<1000x128xf32>
    %mul3A_28 = arith.mulf %select_n3A, %select_n3A : vector<1000x128xf32>
    %reduce_sum3A_29 = arith.constant dense<0.000000e+00> : vector<1000xf32>
    %reduce_sum3A_30 = vector.multi_reduction <add>, %mul3A_28, %reduce_sum3A_29 [1] : vector<1000x128xf32> to vector<1000xf32>
    %broadcast_in_dim3A_31 = vector.shape_cast %reduce_sum3A_30 : vector<1000xf32> to vector<1000x1xf32>
    %sqrt3A_32 = math.sqrt %broadcast_in_dim3A_31 : vector<1000x1xf32>
    %max3A_33 = arith.constant 1.000000e-15 : f32
    %max3A_34 = vector.broadcast %max3A_33 : f32 to vector<1000x1xf32>
    %max3A_35 = arith.maximumf %sqrt3A_32, %max3A_34 : vector<1000x1xf32>
    %jit3A = arith.constant -0.99999988 : f32
    %jit3A_36 = arith.constant 0.99999988 : f32
    %max3A_37 = vector.broadcast %jit3A : f32 to vector<1000x1xf32>
    %max3A_38 = arith.maximumf %max3A_37, %max3A_35 : vector<1000x1xf32>
    %min3A = vector.broadcast %jit3A_36 : f32 to vector<1000x1xf32>
    %min3A_39 = arith.minimumf %min3A, %max3A_38 : vector<1000x1xf32>
    %add3A_40 = arith.constant 1.000000e+00 : f32
    %add3A_41 = vector.broadcast %add3A_40 : f32 to vector<1000x1xf32>
    %add3A_42 = arith.addf %add3A_41, %min3A_39 : vector<1000x1xf32>
    %sub3A = arith.constant 1.000000e+00 : f32
    %sub3A_43 = vector.broadcast %sub3A : f32 to vector<1000x1xf32>
    %sub3A_44 = arith.subf %sub3A_43, %min3A_39 : vector<1000x1xf32>
    %div3A_45 = arith.divf %add3A_42, %sub3A_44 : vector<1000x1xf32>
    %log3A = math.log %div3A_45 : vector<1000x1xf32>
    %mul3A_46 = arith.constant 5.000000e-01 : f32
    %mul3A_47 = vector.broadcast %mul3A_46 : f32 to vector<1000x1xf32>
    %mul3A_48 = arith.mulf %mul3A_47, %log3A : vector<1000x1xf32>
    %mul3A_49 = vector.broadcast %mul3A_48 : vector<1000x1xf32> to vector<1000x128xf32>
    %mul3A_50 = arith.mulf %mul3A_49, %select_n3A : vector<1000x128xf32>
    %div3A_51 = vector.broadcast %max3A_35 : vector<1000x1xf32> to vector<1000x128xf32>
    %div3A_52 = arith.divf %mul3A_50, %div3A_51 : vector<1000x128xf32>
    %max3A_53 = arith.constant 0.000000e+00 : f32
    %max3A_54 = vector.broadcast %max3A_53 : f32 to vector<1000x128xf32>
    %max3A_55 = arith.maximumf %div3A_52, %max3A_54 : vector<1000x128xf32>
    %mul3A_56 = arith.mulf %max3A_55, %max3A_55 : vector<1000x128xf32>
    %reduce_sum3A_57 = arith.constant dense<0.000000e+00> : vector<1000xf32>
    %reduce_sum3A_58 = vector.multi_reduction <add>, %mul3A_56, %reduce_sum3A_57 [1] : vector<1000x128xf32> to vector<1000xf32>
    %broadcast_in_dim3A_59 = vector.shape_cast %reduce_sum3A_58 : vector<1000xf32> to vector<1000x1xf32>
    %sqrt3A_60 = math.sqrt %broadcast_in_dim3A_59 : vector<1000x1xf32>
    %max3A_61 = arith.constant 1.000000e-15 : f32
    %max3A_62 = vector.broadcast %max3A_61 : f32 to vector<1000x1xf32>
    %max3A_63 = arith.maximumf %sqrt3A_60, %max3A_62 : vector<1000x1xf32>
    %tanh3A_64 = math.tanh %max3A_63 : vector<1000x1xf32>
    %mul3A_65 = vector.broadcast %tanh3A_64 : vector<1000x1xf32> to vector<1000x128xf32>
    %mul3A_66 = arith.mulf %mul3A_65, %max3A_55 : vector<1000x128xf32>
    %div3A_67 = vector.broadcast %max3A_63 : vector<1000x1xf32> to vector<1000x128xf32>
    %div3A_68 = arith.divf %mul3A_66, %div3A_67 : vector<1000x128xf32>
    %mul3A_69 = arith.mulf %div3A_68, %div3A_68 : vector<1000x128xf32>
    %reduce_sum3A_70 = arith.constant dense<0.000000e+00> : vector<1000xf32>
    %reduce_sum3A_71 = vector.multi_reduction <add>, %mul3A_69, %reduce_sum3A_70 [1] : vector<1000x128xf32> to vector<1000xf32>
    %broadcast_in_dim3A_72 = vector.shape_cast %reduce_sum3A_71 : vector<1000xf32> to vector<1000x1xf32>
    %sqrt3A_73 = math.sqrt %broadcast_in_dim3A_72 : vector<1000x1xf32>
    %max3A_74 = arith.constant 1.000000e-15 : f32
    %max3A_75 = vector.broadcast %max3A_74 : f32 to vector<1000x1xf32>
    %max3A_76 = arith.maximumf %sqrt3A_73, %max3A_75 : vector<1000x1xf32>
    %gt3A_77 = arith.constant 0.995999991 : f32
    %gt3A_78 = vector.broadcast %gt3A_77 : f32 to vector<1000x1xf32>
    %gt3A_79 = arith.cmpf ogt, %max3A_76, %gt3A_78 : vector<1000x1xf32>
    %div3A_80 = vector.broadcast %max3A_76 : vector<1000x1xf32> to vector<1000x128xf32>
    %div3A_81 = arith.divf %div3A_68, %div3A_80 : vector<1000x128xf32>
    %mul3A_82 = arith.constant 0.995999991 : f32
    %mul3A_83 = vector.broadcast %mul3A_82 : f32 to vector<1000x128xf32>
    %mul3A_84 = arith.mulf %div3A_81, %mul3A_83 : vector<1000x128xf32>
    %broadcast_in_dim3A_85 = vector.shape_cast %gt3A_79 : vector<1000x1xi1> to vector<1000x1xi1>
    %broadcast_in_dim3A_86 = vector.broadcast %broadcast_in_dim3A_85 : vector<1000x1xi1> to vector<1000x128xi1>
    %select_n3A_87 = arith.select %broadcast_in_dim3A_86, %mul3A_84, %div3A_68 : vector<1000x128xi1>, vector<1000x128xf32>
    %swap3A = arith.constant 0 : index
    %swap3A_88 = arith.constant 0 : index
    %swap3A_89 = vector.load %arg3[%swap3A, %swap3A_88] : memref<1000x128xf32, #tpu.memory_space<vmem>>, vector<1000x128xf32>
    tpu.vector_store %arg3[%swap3A, %swap3A_88], %select_n3A_87 {strides = array<i32>} : memref<1000x128xf32, #tpu.memory_space<vmem>>, vector<1000x128xf32>,
    return
  }
  func.func @transform_0(%arg0: i32) -> (i32, i32) {
    %c0_i32 = arith.constant 0 : i32
    %c0_i32_0 = arith.constant 0 : i32
    return %arg0, %c0_i32 : i32, i32
  }
  func.func @transform_1(%arg0: i32) -> (i32, i32) {
    %c0_i32 = arith.constant 0 : i32
    %c0_i32_0 = arith.constant 0 : i32
    return %arg0, %c0_i32 : i32, i32
  }
  func.func @transform_2(%arg0: i32) -> (i32, i32) {
    %c0_i32 = arith.constant 0 : i32
    %c0_i32_0 = arith.constant 0 : i32
    return %arg0, %c0_i32 : i32, i32
  }
}

</mosaic_0001>

<sc_bundles>
// kernel: gather_offload_async_start.1
scs
__scs_entry_jumppad:
0x0: {  	(pc) =	sbr.rel $0x88, $3  }
0x1: {  	(tag) =	ssettag $0x0;
	lr =	simm.s32 $0x1  }
0x2: {  	[smem:$0x3F9D] =	sst lr;
	_ =	strace $0xD0000000  }
0x3: {  	_ = 	snop  }
0x4: {  	_ = 	snop  }
0x5: {  	_ = 	snop  }
0x6: {  	_ = 	snop  }
0x7: {  	_ = 	snop  }
__scs_overlays_trampoline_lowered:
0x8: {  	[smem:$0x3FAC] =	sst s0  }
0x9: {  	[smem:$0x3FAD] =	sst s1  }
0xa: {  	[smem:$0x3FAE] =	sst s2  }
0xb: {  	[smem:$0x3FAF] =	sst s3  }
0xc: {  	[smem:$0x3FB0] =	sst s4  }
0xd: {  	[smem:$0x3FB1] =	sst s5  }
0xe: {  	[smem:$0x3FB2] =	sst s6  }
0xf: {  	[smem:$0x3FB3] =	sst s7  }
0x10: {  	[smem:$0x3FB4] =	sst s8  }
0x11: {  	[smem:$0x3FB5] =	sst s9;
	s0 =	simm.s32 @!p0 $0x0  }
0x12: {  	s1 =	sld [smem:$0x3F9B];
	s0 =	simm.s32 @p0 $0x1  }
0x13: {  	[smem:$0x3FB6] =	sst s0;
	s0 =	simm.s32 @!p1 $0x0  }
0x14: {  	s2 =	sld [smem:$0x3F9A];
	s0 =	simm.s32 @p1 $0x1  }
0x15: {  	[smem:$0x3FB7] =	sst s0;
	s0 =	simm.s32 @!p2 $0x0  }
0x16: {  	s3 =	sld [smem:$0x3FDB];
	s0 =	simm.s32 @p2 $0x1  }
0x17: {  	s4 =	simm.s32 $0x1BF5;
	[smem:$0x3FB9] =	sst s0  }
0x18: {  	s0 =	sld [smem:$0x3F9C];
	_ =	swait.ge [sflag:s4], $0x0  }
0x19: {  	s7 =	sld [smem:$0x3F9D]  }
0x1a: {  	s8 =	sadd.s32 $0xFFFFE003, lr  }
0x1b: {  	s9 =	sadd.s32 $0xFFFFFEF7, lr;
	s5 =	simm.s32 $0xFFFFFFFF;
	p2 =	slt.u32 s8, $0xFFFFF086  }
0x1c: {  	p1 =	slt.u32 s9, $0xF7A;
	s5 =	simm.s32 @!p2 $0x0  }
0x1d: {  	s5 =	simm.s32 @p1 $0x1;
	p0 =	seq.s32 s7, s2  }
0x1e: {  	s7 =	smul.u32 @!p0 $0xF7A, s2;
	p2 =	seq.s32 @!p0 s5, $0x0  }
0x1f: {  	s9 =	smul.u32 $0xF7A, s1;
	s8 =	simm.s32 @!p0 $0x1BF5;
	p2 =	por !p2, p0  }
0x20: {  	[sflag:s8] =	ssyncset.s32 @!p0 $0xFFFFF086;
	s6 =	sadd.s32 @!p0 s3, s7;
	s7 =	simm.s32 @!p0 $0x108  }
0x21: {  	s3 =	sadd.s32 s3, s9;
	s6 =	sadd.s32 @!p0 $0x88, s6;
	s7 =	simm.s32 @p2 $0x1082  }
0x22: {  	[simem:s7], [sflag:s8] =	dma.local @!p0 [hbm:s6], $0xF7A  }
0x23: {  	s9 =	sor.u32 $0xD0000000, s2;
	s6 =	simm.s32 $0x108;
	_ =	swait.ge @!p0 [sflag:s8], $0x0  }
0x24: {  	s3 =	sadd.s32 $0x88, s3;
	s6 =	simm.s32 @!p1 $0x1082;
	[sflag:s4] =	ssyncset.s32 $0xFFFFF086  }
0x25: {  	[simem:s6], [sflag:s4] =	dma.local [hbm:s3], $0xF7A  }
0x26: {  	[smem:$0x3F9D] =	sst s1;
	(tag) =	ssettag s2;
	_ =	strace s9  }
0x27: {  	s1 =	sld [smem:$0x3FAD]  }
0x28: {  	s2 =	sld [smem:$0x3FAE]  }
0x29: {  	s4 =	sld [smem:$0x3FB0]  }
0x2a: {  	p0 =	seq.s32 s5, $0x0;
	s5 =	sld [smem:$0x3FB1]  }
0x2b: {  	s6 =	sld [smem:$0x3FB2]  }
0x2c: {  	s7 =	sld [smem:$0x3FB3]  }
0x2d: {  	s3 =	simm.s32 $0x108;
	s8 =	sld [smem:$0x3FB4]  }
0x2e: {  	s3 =	simm.s32 @!p0 $0x1082;
	s9 =	sld [smem:$0x3FB5]  }
0x2f: {  	lr =	sadd.s32 s0, s3;
	s0 =	sld [smem:$0x3FAC]  }
0x30: {  	s3 =	sld [smem:$0x3FAF]  }
0x31: {  	[smem:$0x3FB8] =	sst s10  }
0x32: {  	s10 =	sld [smem:$0x3FB6];
	_ =	sdelay $0x3  }
0x33: {  	p0 =	seq.s32 s10, $0x1;
	s10 =	sld [smem:$0x3FB8];
	_ =	sdelay $0x3  }
0x34: {  	[smem:$0x3FB8] =	sst s10  }
0x35: {  	s10 =	sld [smem:$0x3FB7];
	_ =	sdelay $0x3  }
0x36: {  	p1 =	seq.s32 s10, $0x1;
	s10 =	sld [smem:$0x3FB8];
	_ =	sdelay $0x3  }
0x37: {  	[smem:$0x3FB8] =	sst s10  }
0x38: {  	s10 =	sld [smem:$0x3FB9]  }
0x39: {  	_ = 	snop;
	(pc) =	sbr.ind lr, $3  }
0x3a: {  	_ = 	snop  }
0x3b: {  	_ = 	snop  }
0x3c: {  	p2 =	seq.s32 s10, $0x1;
	s10 =	sld [smem:$0x3FB8]  }
0x3d: {  	_ =	shalt  }
0x3e: {  	_ =	shalt  }
0x3f: {  	_ =	shalt  }
0x40: {  	_ =	shalt  }
0x41: {  	_ =	shalt  }
0x42: {  	_ =	shalt  }
0x43: {  	_ =	shalt  }
0x44: {  	_ =	shalt  }
0x45: {  	_ =	shalt  }
0x46: {  	_ =	shalt  }
0x47: {  	_ =	shalt  }
0x48: {  	_ =	shalt  }
0x49: {  	_ =	shalt  }
0x4a: {  	_ =	shalt  }
0x4b: {  	_ =	shalt  }
0x4c: {  	_ =	shalt  }
0x4d: {  	_ =	shalt  }
0x4e: {  	_ =	shalt  }
0x4f: {  	_ =	shalt  }
0x50: {  	_ =	shalt  }
0x51: {  	_ =	shalt  }
0x52: {  	_ =	shalt  }
0x53: {  	_ =	shalt  }
0x54: {  	_ =	shalt  }
0x55: {  	_ =	shalt  }
0x56: {  	_ =	shalt  }
0x57: {  	_ =	shalt  }
0x58: {  	_ =	shalt  }
0x59: {  	_ =	shalt  }
0x5a: {  	_ =	shalt  }
0x5b: {  	_ =	shalt  }
0x5c: {  	_ =	shalt  }
0x5d: {  	_ =	shalt  }
0x5e: {  	_ =	shalt  }
0x5f: {  	_ =	shalt  }
0x60: {  	_ =	shalt  }
0x61: {  	_ =	shalt  }
0x62: {  	_ =	shalt  }
0x63: {  	_ =	shalt  }
0x64: {  	_ =	shalt  }
0x65: {  	_ =	shalt  }
0x66: {  	_ =	shalt  }
0x67: {  	_ =	shalt  }
0x68: {  	_ =	shalt  }
0x69: {  	_ =	shalt  }
0x6a: {  	_ =	shalt  }
0x6b: {  	_ =	shalt  }
0x6c: {  	_ =	shalt  }
0x6d: {  	_ =	shalt  }
0x6e: {  	_ =	shalt  }
0x6f: {  	_ =	shalt  }
0x70: {  	_ =	shalt  }
0x71: {  	_ =	shalt  }
0x72: {  	_ =	shalt  }
0x73: {  	_ =	shalt  }
0x74: {  	_ =	shalt  }
0x75: {  	_ =	shalt  }
0x76: {  	_ =	shalt  }
0x77: {  	_ =	shalt  }
0x78: {  	_ =	shalt  }
0x79: {  	_ =	shalt  }
0x7a: {  	_ =	shalt  }
0x7b: {  	_ =	shalt  }
0x7c: {  	_ =	shalt  }
0x7d: {  	_ =	shalt  }
0x7e: {  	_ =	shalt  }
0x7f: {  	_ =	shalt  }
0x80: {  	_ =	shalt  }
0x81: {  	_ =	shalt  }
0x82: {  	_ =	shalt  }
0x83: {  	_ =	shalt  }
0x84: {  	_ =	shalt  }
0x85: {  	_ =	shalt  }
0x86: {  	_ =	shalt  }
0x87: {  	_ =	shalt  }
.Lfunc_end0:
.L_simem_size_0:
called_computation.1_lowered:
.L_overlay_start_0:
0x88: {  	s2 =	sld [smem:$0x3FD9]  }
0x89: {  	s3 =	sld [smem:$0x3FFE];
	_ =	sdelay $0x1  }
0x8a: {  	s1 =	srdreg.scid  }
0x8b: {  	s0 =	sand.u32 $0x1, s1  }
0x8c: {  	s17 =	sshll.u32 s0, $0xA;
	s2 =	sadd.s32 s3, s2  }
0x8d: {  	s2 =	sadd.s32 s2, s17  }
0x8e: {  	[smem:$0x3FC4] =	sst s2  }
0x8f: {  	_ = 	snop  }
0x90: {  	(tm) =	ssettm $0x1  }
0x91: {  	s18 =	sld [smem:$0x3FFB];
	_ =	sdelay $0x3  }
0x92: {  	_ =	strace s18  }
0x93: {  	s2 =	sld [smem:$0x3FFC];
	_ =	sdelay $0x3  }
0x94: {  	_ =	strace s2  }
0x95: {  	s2 =	sld [smem:$0x3FFD];
	_ =	sdelay $0x3  }
0x96: {  	_ =	strace s2  }
0x97: {  	_ =	strace $0x8FFFFFFF  }
0x98: {  	s19 =	sld [smem:$0x3FDB];
	_ =	sdelay $0x1  }
0x99: {  	s20 =	simm.s32 $_scs_section_size  }
0x9a: {  	s4 =	simm.s32 $_size__tile_overlayer_lowered;
	s5 =	simm.s32 $_tile_overlayer_lowered  }
0x9b: {  	s6 =	simm.s32 $0x1BFF;
	s21 =	sshll.u32 s5, $0x1;
	s3 =	sadd.s32 s20, s19  }
0x9c: {  	s22 =	simm.s32 $0x0;
	s4 =	sshll.u32 s4, $0x1;
	s5 =	sadd.s32 s21, s3  }
0x9d: {  	[timem:s22], [sflag:s6] =	dma.local [hbm:s5], s4  }
0x9e: {  	_ =	swait.ge [sflag:s6], s4  }
0x9f: {  	s4 =	ssub.s32 $0x0, s4;
	[sflag:s6] =	ssyncset.done $0x0  }
0xa0: {  	[sflag:s6] =	ssyncadd.s32 s4;
	_ =	sdelay $0x1  }
0xa1: {  	s23 =	simm.s32 $0x1B8B  }
0xa2: {  	_ =	swait.ge [sflag:s23], $0x1  }
0xa3: {  	[sflag:s23] =	ssyncset.done $0x0  }
0xa4: {  	[sflag:s23] =	ssyncadd.s32 $0xFFFFFFFF  }
0xa5: {  	s4 =	sld [smem:$0x0]  }
0xa6: {  	s5 =	sand.u32 $0xFFFFFFFE, s1  }
0xa7: {  	p0 =	sne.s32 s1, s5  }
0xa8: {  	s5 =	sshll.u32 @p0 s5, $0xE  }
0xa9: {  	s5 =	sadd.s32 @p0 $0x11B8D, s5;
	s6 =	sshll.u32 @p0 s4, $0x11  }
0xaa: {  	s5 =	sor.u32 @p0 s6, s5  }
0xab: {  	[sflag:s5] =	ssyncadd.remote.s32 @p0 $0x1;
	_ =	sdelay $0x1  }
0xac: {  	s5 =	simm.s32 @p0 $0x1B8D  }
0xad: {  	_ =	swait.eq @p0 [sflag:s5], $0x1  }
0xae: {  	[sflag:s5] =	ssyncadd.s32 @p0 $0xFFFFFFFF  }
0xaf: {  	s6 =	sshll.u32 @!p0 s1, $0xE  }
0xb0: {  	s6 =	sor.u32 @!p0 $0x4000, s6;
	s5 =	simm.s32 @!p0 $0x1B8D  }
0xb1: {  	s4 =	sshll.u32 @!p0 s4, $0x11;
	s6 =	sadd.s32 @!p0 $0x11B8D, s6;
	_ =	swait.eq @!p0 [sflag:s5], $0x1  }
0xb2: {  	s4 =	sor.u32 @!p0 s4, s6;
	[sflag:s5] =	ssyncadd.s32 @!p0 $0xFFFFFFFF  }
0xb3: {  	s25 =	simm.s32 $0x1B8E;
	s24 =	sld [smem:$0x3FFE];
	[sflag:s4] =	ssyncadd.remote.s32 @!p0 $0x1  }
0xb4: {  	s26 =	simm.s32 $execute0_lowered;
	[smem:$0x3FD2] =	sst s25  }
0xb5: {  	s5 =	sshll.u32 s26, $0x1;
	_ =	strace $0x80000049;
	[dreg:$0x1] =	wrdreg $0xFFFFFFFF  }
0xb6: {  	s28 =	simm.s32 $_size_execute0_lowered;
	s3 =	sadd.s32 s3, s5;
	[dreg:$0x0] =	wrdreg $0x0  }
0xb7: {  	s5 =	sshll.u32 s28, $0x1;
	[dreg:$0x2] =	wrdreg s3  }
0xb8: {  	[dreg:$0x3] =	wrdreg s5  }
0xb9: {  	[dreg:$0x4] =	wrdreg $0xC0  }
0xba: {  	_ =	task [dreg:s22], $0x5FFFF  }
0xbb: {  	[dreg:$0x1] =	wrdreg $0xFFFFFFFF  }
0xbc: {  	[dreg:$0x0] =	wrdreg $0x60  }
0xbd: {  	[dreg:$0x2] =	wrdreg s24  }
0xbe: {  	[dreg:$0x3] =	wrdreg $0xA  }
0xbf: {  	_ =	task.clear_ibuf [dreg:s22], $0x4FFFF;
	_ =	strace $0x90000049  }
0xc0: {  	s29 =	simm.s32 $0xA;
	_ =	strace $0x8000004B  }
0xc1: {  	_ =	swait.ge [sflag:s29], $0x1  }
0xc2: {  	[sflag:s29] =	ssyncadd.s32 $0xFFFFFFFF  }
0xc3: {  	_ =	strace $0x9000004B  }
0xc4: {  	_ =	sfence  }
0xc5: {  	s30 =	sld [smem:$0x0];
	_ =	sdelay $0x2  }
0xc6: {  	s31 =	sshll.u32 s1, $0xD;
	s1 =	sshrl.u32 s1, $0x2  }
0xc7: {  	s4 =	sand.u32 $0x4000, s31;
	s1 =	sadd.s32 s1, s30  }
0xc8: {  	s0 =	sor.u32 s4, s0;
	s1 =	sshll.u32 s1, $0x11  }
0xc9: {  	s0 =	sor.u32 s1, s0  }
0xca: {  	s0 =	sadd.s32 $0x8F2B, s0  }
0xcb: {  	[sflag:s0] =	ssyncadd.remote.s32 $0x1  }
0xcc: {  	_ =	sfence.sel $0xFFFF  }
0xcd: {  	[dreg:$0x0] =	wrdreg $0xFFFFFFFF;
	(pc) =	sbr.abs _section_cstart, $3  }
0xce: {  	[dreg:$0x1] =	wrdreg $0xFFFFFFFF  }
0xcf: {  	_ =	task.clear_ibuf [dreg:s22], $0x2FFFF;
	_ =	strace $0x9FFFFFFF  }
0xd0: {  	(tm) =	ssettm $0x7FFFFFFF  }
0xd1: {  	_ =	shalt  }
tec
execute0_lowered:
.L_overlay_start_1:
0x0: {  	(tag) =	ssettag $0x1  }
0x1: {  	s0 =	srdreg.scid  }
0x2: {  	s1 =	sshll.u32 s0, $0x4  }
0x3: {  	s0 =	stileid.u32;
	s1 =	sand.u32 $0x10, s1  }
0x4: {  	s1 =	sor.u32 s0, s1  }
0x5: {  	s7 =	rddreg [dreg:$0x0];
	s2 =	smin.u32 s1, $0x1E;
	s3 =	sshll.u32 s1, $0x6  }
0x6: {  	p0 =	slt.u32 s1, $0x1E;
	s1 =	simm.s32 $0x50;
	s2 =	sshll.u32 s2, $0x4  }
0x7: {  	s8 =	simm.s32 $0x1;
	s1 =	simm.s32 @!p0 $0x40;
	s2 =	sadd.s32 s3, s2  }
0x8: {  	s30 =	simm.s32 $0x2;
	s31 =	simm.s32 $0x3;
	s3 =	sadd.s32 s1, s2  }
0x9: {  	s12 =	simm.s32 $0x0;
	s9 =	simm.s32 $0x0;
	s3 =	smin.u32 s3, $0x9E0  }
0xa: {  	s10 =	simm.s32 $0x0;
	s4 =	sadd.s32 $0xB600, s7;
	s6 =	ssub.s32 s3, s2  }
0xb: {  	s1 =	rddreg [dreg:$0x1];
	_ =	strace $0x8000004A;
	p0 =	sgt.s32 s6, $0x0  }
0xc: {  	s5 =	sadd.s32 $0x1600, s7;
	[sflag:s8] =	ssyncpa.u1 $0x0;
	s6 =	simm.s32 @!p0 $0x0  }
0xd: {  	s7 =	sadd.s32 $0x1F200, s7;
	[sflag:s30] =	ssyncpa.u1 $0x0;
	s6 =	sshrl.u32 s6, $0x4  }
0xe: {  	s11 =	smov.u32 s2;
	[sflag:s31] =	ssyncpa.u1 $0x0;
	s8 =	sadd.s32 $0x1, s6  }
.LBB2_1:
0xf: {  	p0 =	sge.u32 s10, s6  }
0x10: {  	s31 =	sadd.s32 $0xFFFFFFFF, s10;
	s13 =	sxor.u32 @!p0 $0xFFFFFFFF, s9;
	s14 =	sshrl.u32 @!p0 s11, $0x3  }
0x11: {  	s15 =	sand.u32 @!p0 $0x7, s11;
	s13 =	sand.u32 @!p0 $0x10, s13;
	s14 =	sadd.s32 @!p0 s5, s14  }
0x12: {  	[tilespmem:s13], [sflag:$0x2] =	stream.linear.gather @!p0 [hbm4b:s14+s15], $0x10, $0x38;
	[tilespmem:$0x1020] =	vst v63  }
0x13: {  	p0 =	sge.u32 s31, s6  }
0x14: {  	s13 =	simm.s32 @!p0 $0x2  }
0x15: {  	_ =	swait.ge @!p0 [sflag:s13], $0x10  }
0x16: {  	s14 =	sand.u32 @!p0 $0x1, s10;
	[sflag:s13] =	ssyncset.done @!p0 $0x0  }
0x17: {  	[sflag:s13] =	ssyncadd.s32 @!p0 $0xFFFFFFF0;
	s13 =	sshll.u32 @!p0 s14, $0x4  }
0x18: {  	v0 =	vld.msk @!p0 [tilespmem:s13+$0x0 ss:$0x1], $0xffff;
	_ =	sdelay $0x4  }
0x19: {  	vm0 =	vgt.s32 @!p0 v0, $0x0  }
0x1a: {  	v0 =	vnsel @!p0 vm0, $0x0, v0  }
0x1b: {  	v0 =	vmin.u32 @!p0 v0, $0x9CF  }
0x1c: {  	v0 =	vshll.u32 @!p0 v0, $0x4;
	_ =	sdelay $0x2  }
0x1d: {  	s13 =	sshll.u32 @!p0 s14, $0xB  }
0x1e: {  	s14 =	sor.u32 @!p0 $0x20, s13;
	vm0 =	vmmov @!p0 $0xff  }
0x1f: {  	[tilespmem:s14], [sflag:$0x1] =	stream.indirect_vreg.gather @!p0 [hbm:s4], $0x80, v0, vm0, $0x38;
	[tilespmem:$0x1020] =	vst v63  }
0x20: {  	s15 =	simm.s32 @!p0 $0x1;
	s13 =	sor.u32 @!p0 $0x420, s13;
	vm0 =	vcmask @!p0 $0x3F20  }
0x21: {  	[tilespmem:s13], [sflag:$0x1] =	stream.indirect_vreg.gather @!p0 [hbm:s4], $0x80, v0, vm0, $0x38;
	[tilespmem:$0x1020] =	vst v63  }
0x22: {  	_ =	swait.ge @!p0 [sflag:s15], $0x800  }
0x23: {  	s12 =	sshll.u32 @!p0 s12, $0x4;
	[sflag:s15] =	ssyncset.done @!p0 $0x0  }
0x24: {  	s12 =	sadd.s32 @!p0 s7, s12;
	[sflag:s15] =	ssyncadd.s32 @!p0 $0xFFFFF800  }
0x25: {  	[hbm:s12] =	stream.linear.scatter @!p0 [tilespmem:s14], [sflag:$0x3], $0x400, $0x38;
	[tilespmem:$0x1020] =	vst v63  }
0x26: {  	s12 =	sadd.s32 @!p0 $0x80, s12  }
0x27: {  	[hbm:s12] =	stream.linear.scatter @!p0 [tilespmem:s13], [sflag:$0x3], $0x400, $0x38;
	[tilespmem:$0x1020] =	vst v63  }
0x28: {  	s12 =	sadd.s32 $0x10, s11  }
0x29: {  	s14 =	smov.u32 s2;
	p1 =	slt.s32 s12, s3  }
0x2a: {  	s14 =	smov.u32 @p1 s12;
	p1 =	sne.s32 s10, s8  }
.Ltmp0:
0x2b: {  	p0 =	slt.u32 s10, $0x2;
	(pc) =	sbr.rel @p1 .LBB2_1-.Ltmp0, $4  }
0x2c: {  	s13 =	simm.s32 @!p0 $0x3  }
0x2d: {  	_ =	swait.ge @!p0 [sflag:s13], $0x800  }
0x2e: {  	s9 =	sadd.s32 $0x10, s9;
	s12 =	smov.u32 s11;
	[sflag:s13] =	ssyncset.done @!p0 $0x0  }
0x2f: {  	s10 =	sadd.s32 $0x1, s10;
	s11 =	smov.u32 s14;
	[sflag:s13] =	ssyncadd.s32 @!p0 $0xFFFFF800  }
0x30: {  	_ =	sfence.sel $0x180000  }
0x31: {  	s2 =	simm.s32 $0x2;
	[bflag:$0x0] =	sbarrier.arrive $0xFFFF  }
0x32: {  	s30 =	simm.s32 $0x3;
	[sflag:s2] =	ssyncpa.u1 $0x1  }
0x33: {  	s31 =	simm.s32 $0x1;
	[sflag:s30] =	ssyncpa.u1 $0x1  }
0x34: {  	[sflag:s31] =	ssyncpa.u1 $0x1  }
0x35: {  	p0 =	sne.s32 s0, $0x0;
	_ =	strace $0x9000004A  }
0x36: {  	s0 =	sadd.s32 @!p0 $0x100000, s1;
	[bflag:$0x2] =	sbarrier.arrive $0xFFFF  }
0x37: {  	[sflag:s0] =	ssyncadd.tile.s32 @!p0 $0x1;
	_ =	shalt  }
.Lfunc_end2:
_tile_overlayer_lowered:
.L_overlay_start_2:
0x38: {  	(tag) =	ssettag $0x2  }
0x39: {  	s0 =	rddreg [dreg:$0x0];
	s2 =	stileid.u32  }
0x3a: {  	s1 =	rddreg [dreg:$0x1];
	p0 =	sne.s32 s2, $0x0  }
0x3b: {  	s3 =	rddreg [dreg:$0x2];
	[bflag:$0x3] =	sbarrier.arrive $0xFFFF;
	s2 =	simm.s32 @!p0 $0x1C01  }
0x3c: {  	[timem:s3], [sflag:s2] =	dma.local @!p0 [hbm:s0], s1  }
0x3d: {  	s0 =	simm.s32 @!p0 $0x1  }
0x3e: {  	_ =	swait.ge @!p0 [sflag:s0], s1  }
0x3f: {  	s1 =	ssub.s32 @!p0 $0x0, s1;
	[sflag:s0] =	ssyncset.done @!p0 $0x0  }
0x40: {  	[sflag:s0] =	ssyncadd.s32 @!p0 s1  }
0x41: {  	[bflag:$0x3] =	sbarrier.arrive $0xFFFF  }
0x42: {  	_ =	shalt  }

// kernel: gather_offload_async_start
scs
__scs_entry_jumppad:
0x0: {  	(pc) =	sbr.rel $0x88, $3  }
0x1: {  	(tag) =	ssettag $0x0;
	lr =	simm.s32 $0x1  }
0x2: {  	[smem:$0x3F9D] =	sst lr;
	_ =	strace $0xD0000000  }
0x3: {  	_ = 	snop  }
0x4: {  	_ = 	snop  }
0x5: {  	_ = 	snop  }
0x6: {  	_ = 	snop  }
0x7: {  	_ = 	snop  }
__scs_overlays_trampoline_lowered:
0x8: {  	[smem:$0x3FAC] =	sst s0  }
0x9: {  	[smem:$0x3FAD] =	sst s1  }
0xa: {  	[smem:$0x3FAE] =	sst s2  }
0xb: {  	[smem:$0x3FAF] =	sst s3  }
0xc: {  	[smem:$0x3FB0] =	sst s4  }
0xd: {  	[smem:$0x3FB1] =	sst s5  }
0xe: {  	[smem:$0x3FB2] =	sst s6  }
0xf: {  	[smem:$0x3FB3] =	sst s7  }
0x10: {  	[smem:$0x3FB4] =	sst s8  }
0x11: {  	[smem:$0x3FB5] =	sst s9;
	s0 =	simm.s32 @!p0 $0x0  }
0x12: {  	s1 =	sld [smem:$0x3F9B];
	s0 =	simm.s32 @p0 $0x1  }
0x13: {  	[smem:$0x3FB6] =	sst s0;
	s0 =	simm.s32 @!p1 $0x0  }
0x14: {  	s2 =	sld [smem:$0x3F9A];
	s0 =	simm.s32 @p1 $0x1  }
0x15: {  	[smem:$0x3FB7] =	sst s0;
	s0 =	simm.s32 @!p2 $0x0  }
0x16: {  	s3 =	sld [smem:$0x3FDB];
	s0 =	simm.s32 @p2 $0x1  }
0x17: {  	s4 =	simm.s32 $0x1BF5;
	[smem:$0x3FB9] =	sst s0  }
0x18: {  	s0 =	sld [smem:$0x3F9C];
	_ =	swait.ge [sflag:s4], $0x0  }
0x19: {  	s7 =	sld [smem:$0x3F9D]  }
0x1a: {  	s8 =	sadd.s32 $0xFFFFE003, lr  }
0x1b: {  	s9 =	sadd.s32 $0xFFFFFEF7, lr;
	s5 =	simm.s32 $0xFFFFFFFF;
	p2 =	slt.u32 s8, $0xFFFFF086  }
0x1c: {  	p1 =	slt.u32 s9, $0xF7A;
	s5 =	simm.s32 @!p2 $0x0  }
0x1d: {  	s5 =	simm.s32 @p1 $0x1;
	p0 =	seq.s32 s7, s2  }
0x1e: {  	s7 =	smul.u32 @!p0 $0xF7A, s2;
	p2 =	seq.s32 @!p0 s5, $0x0  }
0x1f: {  	s9 =	smul.u32 $0xF7A, s1;
	s8 =	simm.s32 @!p0 $0x1BF5;
	p2 =	por !p2, p0  }
0x20: {  	[sflag:s8] =	ssyncset.s32 @!p0 $0xFFFFF086;
	s6 =	sadd.s32 @!p0 s3, s7;
	s7 =	simm.s32 @!p0 $0x108  }
0x21: {  	s3 =	sadd.s32 s3, s9;
	s6 =	sadd.s32 @!p0 $0x88, s6;
	s7 =	simm.s32 @p2 $0x1082  }
0x22: {  	[simem:s7], [sflag:s8] =	dma.local @!p0 [hbm:s6], $0xF7A  }
0x23: {  	s9 =	sor.u32 $0xD0000000, s2;
	s6 =	simm.s32 $0x108;
	_ =	swait.ge @!p0 [sflag:s8], $0x0  }
0x24: {  	s3 =	sadd.s32 $0x88, s3;
	s6 =	simm.s32 @!p1 $0x1082;
	[sflag:s4] =	ssyncset.s32 $0xFFFFF086  }
0x25: {  	[simem:s6], [sflag:s4] =	dma.local [hbm:s3], $0xF7A  }
0x26: {  	[smem:$0x3F9D] =	sst s1;
	(tag) =	ssettag s2;
	_ =	strace s9  }
0x27: {  	s1 =	sld [smem:$0x3FAD]  }
0x28: {  	s2 =	sld [smem:$0x3FAE]  }
0x29: {  	s4 =	sld [smem:$0x3FB0]  }
0x2a: {  	p0 =	seq.s32 s5, $0x0;
	s5 =	sld [smem:$0x3FB1]  }
0x2b: {  	s6 =	sld [smem:$0x3FB2]  }
0x2c: {  	s7 =	sld [smem:$0x3FB3]  }
0x2d: {  	s3 =	simm.s32 $0x108;
	s8 =	sld [smem:$0x3FB4]  }
0x2e: {  	s3 =	simm.s32 @!p0 $0x1082;
	s9 =	sld [smem:$0x3FB5]  }
0x2f: {  	lr =	sadd.s32 s0, s3;
	s0 =	sld [smem:$0x3FAC]  }
0x30: {  	s3 =	sld [smem:$0x3FAF]  }
0x31: {  	[smem:$0x3FB8] =	sst s10  }
0x32: {  	s10 =	sld [smem:$0x3FB6];
	_ =	sdelay $0x3  }
0x33: {  	p0 =	seq.s32 s10, $0x1;
	s10 =	sld [smem:$0x3FB8];
	_ =	sdelay $0x3  }
0x34: {  	[smem:$0x3FB8] =	sst s10  }
0x35: {  	s10 =	sld [smem:$0x3FB7];
	_ =	sdelay $0x3  }
0x36: {  	p1 =	seq.s32 s10, $0x1;
	s10 =	sld [smem:$0x3FB8];
	_ =	sdelay $0x3  }
0x37: {  	[smem:$0x3FB8] =	sst s10  }
0x38: {  	s10 =	sld [smem:$0x3FB9]  }
0x39: {  	_ = 	snop;
	(pc) =	sbr.ind lr, $3  }
0x3a: {  	_ = 	snop  }
0x3b: {  	_ = 	snop  }
0x3c: {  	p2 =	seq.s32 s10, $0x1;
	s10 =	sld [smem:$0x3FB8]  }
0x3d: {  	_ =	shalt  }
0x3e: {  	_ =	shalt  }
0x3f: {  	_ =	shalt  }
0x40: {  	_ =	shalt  }
0x41: {  	_ =	shalt  }
0x42: {  	_ =	shalt  }
0x43: {  	_ =	shalt  }
0x44: {  	_ =	shalt  }
0x45: {  	_ =	shalt  }
0x46: {  	_ =	shalt  }
0x47: {  	_ =	shalt  }
0x48: {  	_ =	shalt  }
0x49: {  	_ =	shalt  }
0x4a: {  	_ =	shalt  }
0x4b: {  	_ =	shalt  }
0x4c: {  	_ =	shalt  }
0x4d: {  	_ =	shalt  }
0x4e: {  	_ =	shalt  }
0x4f: {  	_ =	shalt  }
0x50: {  	_ =	shalt  }
0x51: {  	_ =	shalt  }
0x52: {  	_ =	shalt  }
0x53: {  	_ =	shalt  }
0x54: {  	_ =	shalt  }
0x55: {  	_ =	shalt  }
0x56: {  	_ =	shalt  }
0x57: {  	_ =	shalt  }
0x58: {  	_ =	shalt  }
0x59: {  	_ =	shalt  }
0x5a: {  	_ =	shalt  }
0x5b: {  	_ =	shalt  }
0x5c: {  	_ =	shalt  }
0x5d: {  	_ =	shalt  }
0x5e: {  	_ =	shalt  }
0x5f: {  	_ =	shalt  }
0x60: {  	_ =	shalt  }
0x61: {  	_ =	shalt  }
0x62: {  	_ =	shalt  }
0x63: {  	_ =	shalt  }
0x64: {  	_ =	shalt  }
0x65: {  	_ =	shalt  }
0x66: {  	_ =	shalt  }
0x67: {  	_ =	shalt  }
0x68: {  	_ =	shalt  }
0x69: {  	_ =	shalt  }
0x6a: {  	_ =	shalt  }
0x6b: {  	_ =	shalt  }
0x6c: {  	_ =	shalt  }
0x6d: {  	_ =	shalt  }
0x6e: {  	_ =	shalt  }
0x6f: {  	_ =	shalt  }
0x70: {  	_ =	shalt  }
0x71: {  	_ =	shalt  }
0x72: {  	_ =	shalt  }
0x73: {  	_ =	shalt  }
0x74: {  	_ =	shalt  }
0x75: {  	_ =	shalt  }
0x76: {  	_ =	shalt  }
0x77: {  	_ =	shalt  }
0x78: {  	_ =	shalt  }
0x79: {  	_ =	shalt  }
0x7a: {  	_ =	shalt  }
0x7b: {  	_ =	shalt  }
0x7c: {  	_ =	shalt  }
0x7d: {  	_ =	shalt  }
0x7e: {  	_ =	shalt  }
0x7f: {  	_ =	shalt  }
0x80: {  	_ =	shalt  }
0x81: {  	_ =	shalt  }
0x82: {  	_ =	shalt  }
0x83: {  	_ =	shalt  }
0x84: {  	_ =	shalt  }
0x85: {  	_ =	shalt  }
0x86: {  	_ =	shalt  }
0x87: {  	_ =	shalt  }
.Lfunc_end0:
.L_simem_size_0:
called_computation_lowered:
.L_overlay_start_0:
0x88: {  	s2 =	sld [smem:$0x3FD9]  }
0x89: {  	s3 =	sld [smem:$0x3FFE];
	_ =	sdelay $0x1  }
0x8a: {  	s1 =	srdreg.scid  }
0x8b: {  	s0 =	sand.u32 $0x1, s1  }
0x8c: {  	s16 =	sshll.u32 s0, $0xA;
	s2 =	sadd.s32 s3, s2  }
0x8d: {  	s2 =	sadd.s32 s2, s16  }
0x8e: {  	[smem:$0x3FC4] =	sst s2  }
0x8f: {  	_ = 	snop  }
0x90: {  	(tm) =	ssettm $0x1  }
0x91: {  	s17 =	sld [smem:$0x3FFB];
	_ =	sdelay $0x3  }
0x92: {  	_ =	strace s17  }
0x93: {  	s2 =	sld [smem:$0x3FFC];
	_ =	sdelay $0x3  }
0x94: {  	_ =	strace s2  }
0x95: {  	s2 =	sld [smem:$0x3FFD];
	_ =	sdelay $0x3  }
0x96: {  	_ =	strace s2  }
0x97: {  	_ =	strace $0x8FFFFFFF  }
0x98: {  	s18 =	sld [smem:$0x3FDB];
	_ =	sdelay $0x1  }
0x99: {  	s19 =	simm.s32 $_scs_section_size  }
0x9a: {  	s4 =	simm.s32 $_size__tile_overlayer_lowered;
	s5 =	simm.s32 $_tile_overlayer_lowered  }
0x9b: {  	s22 =	simm.s32 $0x1BFF;
	s21 =	sshll.u32 s5, $0x1;
	s2 =	sadd.s32 s19, s18  }
0x9c: {  	s6 =	simm.s32 $0x0;
	s20 =	sshll.u32 s4, $0x1;
	s4 =	sadd.s32 s21, s2  }
0x9d: {  	[timem:s6], [sflag:s22] =	dma.local [hbm:s4], s20  }
0x9e: {  	_ =	swait.ge [sflag:s22], s20  }
0x9f: {  	s3 =	ssub.s32 $0x0, s20;
	[sflag:s22] =	ssyncset.done $0x0  }
0xa0: {  	[sflag:s22] =	ssyncadd.s32 s3;
	_ =	sdelay $0x1  }
0xa1: {  	s23 =	simm.s32 $0x1B8B  }
0xa2: {  	_ =	swait.ge [sflag:s23], $0x1  }
0xa3: {  	[sflag:s23] =	ssyncset.done $0x0  }
0xa4: {  	s25 =	simm.s32 $0x1B8E;
	s24 =	sld [smem:$0x3FFE];
	[sflag:s23] =	ssyncadd.s32 $0xFFFFFFFF  }
0xa5: {  	s26 =	simm.s32 $execute0_lowered;
	[smem:$0x3FD2] =	sst s25  }
0xa6: {  	s4 =	sshll.u32 s26, $0x1;
	_ =	strace $0x80000046;
	[dreg:$0x1] =	wrdreg $0xFFFFFFFF  }
0xa7: {  	s28 =	simm.s32 $_size_execute0_lowered;
	s2 =	sadd.s32 s2, s4;
	[dreg:$0x0] =	wrdreg $0x0  }
0xa8: {  	s4 =	sshll.u32 s28, $0x1;
	[dreg:$0x2] =	wrdreg s2  }
0xa9: {  	[dreg:$0x3] =	wrdreg s4  }
0xaa: {  	[dreg:$0x4] =	wrdreg $0xC0  }
0xab: {  	_ =	task [dreg:s6], $0x5FFFF  }
0xac: {  	[dreg:$0x1] =	wrdreg $0xFFFFFFFF  }
0xad: {  	[dreg:$0x0] =	wrdreg $0x60  }
0xae: {  	[dreg:$0x2] =	wrdreg s24  }
0xaf: {  	[dreg:$0x3] =	wrdreg $0x9  }
0xb0: {  	_ =	task.clear_ibuf [dreg:s6], $0x4FFFF;
	_ =	strace $0x90000046  }
0xb1: {  	s29 =	simm.s32 $0x9;
	_ =	strace $0x80000048  }
0xb2: {  	_ =	swait.ge [sflag:s29], $0x1  }
0xb3: {  	[sflag:s29] =	ssyncadd.s32 $0xFFFFFFFF  }
0xb4: {  	_ =	strace $0x90000048  }
0xb5: {  	_ =	sfence  }
0xb6: {  	s30 =	sld [smem:$0x0];
	_ =	sdelay $0x2  }
0xb7: {  	s31 =	sshll.u32 s1, $0xD;
	s1 =	sshrl.u32 s1, $0x2  }
0xb8: {  	s3 =	sand.u32 $0x4000, s31;
	s1 =	sadd.s32 s1, s30  }
0xb9: {  	s0 =	sor.u32 s3, s0;
	s1 =	sshll.u32 s1, $0x11  }
0xba: {  	s0 =	sor.u32 s1, s0  }
0xbb: {  	s0 =	sadd.s32 $0x8F2B, s0  }
0xbc: {  	[sflag:s0] =	ssyncadd.remote.s32 $0x1  }
0xbd: {  	_ =	sfence.sel $0xFFFF  }
0xbe: {  	[dreg:$0x0] =	wrdreg $0xFFFFFFFF;
	(pc) =	sbr.abs _section_cstart, $3  }
0xbf: {  	[dreg:$0x1] =	wrdreg $0xFFFFFFFF  }
0xc0: {  	_ =	task.clear_ibuf [dreg:s6], $0x2FFFF;
	_ =	strace $0x9FFFFFFF  }
0xc1: {  	(tm) =	ssettm $0x7FFFFFFF  }
tec
execute0_lowered:
.L_overlay_start_1:
0x0: {  	(tag) =	ssettag $0x1  }
0x1: {  	s0 =	srdreg.scid  }
0x2: {  	s1 =	sshll.u32 s0, $0x4  }
0x3: {  	s0 =	stileid.u32;
	s1 =	sand.u32 $0x10, s1  }
0x4: {  	s1 =	sor.u32 s0, s1  }
0x5: {  	s7 =	rddreg [dreg:$0x0];
	s2 =	smin.u32 s1, $0x1E;
	s3 =	sshll.u32 s1, $0x6  }
0x6: {  	p0 =	slt.u32 s1, $0x1E;
	s1 =	simm.s32 $0x50;
	s2 =	sshll.u32 s2, $0x4  }
0x7: {  	s8 =	simm.s32 $0x1;
	s1 =	simm.s32 @!p0 $0x40;
	s2 =	sadd.s32 s3, s2  }
0x8: {  	s30 =	simm.s32 $0x2;
	s31 =	simm.s32 $0x3;
	s3 =	sadd.s32 s1, s2  }
0x9: {  	s12 =	simm.s32 $0x0;
	s9 =	simm.s32 $0x0;
	s3 =	smin.u32 s3, $0x9E0  }
0xa: {  	s10 =	simm.s32 $0x0;
	s4 =	sadd.s32 $0x1800, s7;
	s6 =	ssub.s32 s3, s2  }
0xb: {  	s1 =	rddreg [dreg:$0x1];
	_ =	strace $0x80000047;
	p0 =	sgt.s32 s6, $0x0  }
0xc: {  	s5 =	sadd.s32 $0x1600, s7;
	[sflag:s8] =	ssyncpa.u1 $0x0;
	s6 =	simm.s32 @!p0 $0x0  }
0xd: {  	s7 =	sadd.s32 $0x15400, s7;
	[sflag:s30] =	ssyncpa.u1 $0x0;
	s6 =	sshrl.u32 s6, $0x4  }
0xe: {  	s11 =	smov.u32 s2;
	[sflag:s31] =	ssyncpa.u1 $0x0;
	s8 =	sadd.s32 $0x1, s6  }
.LBB2_1:
0xf: {  	p0 =	sge.u32 s10, s6  }
0x10: {  	s31 =	sadd.s32 $0xFFFFFFFF, s10;
	s13 =	sxor.u32 @!p0 $0xFFFFFFFF, s9;
	s14 =	sshrl.u32 @!p0 s11, $0x3  }
0x11: {  	s15 =	sand.u32 @!p0 $0x7, s11;
	s13 =	sand.u32 @!p0 $0x10, s13;
	s14 =	sadd.s32 @!p0 s5, s14  }
0x12: {  	[tilespmem:s13], [sflag:$0x2] =	stream.linear.gather @!p0 [hbm4b:s14+s15], $0x10, $0x38;
	[tilespmem:$0x1020] =	vst v63  }
0x13: {  	p0 =	sge.u32 s31, s6  }
0x14: {  	s13 =	simm.s32 @!p0 $0x2  }
0x15: {  	_ =	swait.ge @!p0 [sflag:s13], $0x10  }
0x16: {  	s14 =	sand.u32 @!p0 $0x1, s10;
	[sflag:s13] =	ssyncset.done @!p0 $0x0  }
0x17: {  	[sflag:s13] =	ssyncadd.s32 @!p0 $0xFFFFFFF0;
	s13 =	sshll.u32 @!p0 s14, $0x4  }
0x18: {  	v0 =	vld.msk @!p0 [tilespmem:s13+$0x0 ss:$0x1], $0xffff;
	_ =	sdelay $0x4  }
0x19: {  	vm0 =	vgt.s32 @!p0 v0, $0x0  }
0x1a: {  	v0 =	vnsel @!p0 vm0, $0x0, v0  }
0x1b: {  	v0 =	vmin.u32 @!p0 v0, $0x9CF  }
0x1c: {  	v0 =	vshll.u32 @!p0 v0, $0x4;
	_ =	sdelay $0x2  }
0x1d: {  	s13 =	sshll.u32 @!p0 s14, $0xB  }
0x1e: {  	s14 =	sor.u32 @!p0 $0x20, s13;
	vm0 =	vmmov @!p0 $0xff  }
0x1f: {  	[tilespmem:s14], [sflag:$0x1] =	stream.indirect_vreg.gather @!p0 [hbm:s4], $0x80, v0, vm0, $0x38;
	[tilespmem:$0x1020] =	vst v63  }
0x20: {  	s15 =	simm.s32 @!p0 $0x1;
	s13 =	sor.u32 @!p0 $0x420, s13;
	vm0 =	vcmask @!p0 $0x3F20  }
0x21: {  	[tilespmem:s13], [sflag:$0x1] =	stream.indirect_vreg.gather @!p0 [hbm:s4], $0x80, v0, vm0, $0x38;
	[tilespmem:$0x1020] =	vst v63  }
0x22: {  	_ =	swait.ge @!p0 [sflag:s15], $0x800  }
0x23: {  	s12 =	sshll.u32 @!p0 s12, $0x4;
	[sflag:s15] =	ssyncset.done @!p0 $0x0  }
0x24: {  	s12 =	sadd.s32 @!p0 s7, s12;
	[sflag:s15] =	ssyncadd.s32 @!p0 $0xFFFFF800  }
0x25: {  	[hbm:s12] =	stream.linear.scatter @!p0 [tilespmem:s14], [sflag:$0x3], $0x400, $0x38;
	[tilespmem:$0x1020] =	vst v63  }
0x26: {  	s12 =	sadd.s32 @!p0 $0x80, s12  }
0x27: {  	[hbm:s12] =	stream.linear.scatter @!p0 [tilespmem:s13], [sflag:$0x3], $0x400, $0x38;
	[tilespmem:$0x1020] =	vst v63  }
0x28: {  	s12 =	sadd.s32 $0x10, s11  }
0x29: {  	s14 =	smov.u32 s2;
	p1 =	slt.s32 s12, s3  }
0x2a: {  	s14 =	smov.u32 @p1 s12;
	p1 =	sne.s32 s10, s8  }
.Ltmp0:
0x2b: {  	p0 =	slt.u32 s10, $0x2;
	(pc) =	sbr.rel @p1 .LBB2_1-.Ltmp0, $4  }
0x2c: {  	s13 =	simm.s32 @!p0 $0x3  }
0x2d: {  	_ =	swait.ge @!p0 [sflag:s13], $0x800  }
0x2e: {  	s9 =	sadd.s32 $0x10, s9;
	s12 =	smov.u32 s11;
	[sflag:s13] =	ssyncset.done @!p0 $0x0  }
0x2f: {  	s10 =	sadd.s32 $0x1, s10;
	s11 =	smov.u32 s14;
	[sflag:s13] =	ssyncadd.s32 @!p0 $0xFFFFF800  }
0x30: {  	_ =	sfence.sel $0x180000  }
0x31: {  	s2 =	simm.s32 $0x2;
	[bflag:$0x0] =	sbarrier.arrive $0xFFFF  }
0x32: {  	s30 =	simm.s32 $0x3;
	[sflag:s2] =	ssyncpa.u1 $0x1  }
0x33: {  	s31 =	simm.s32 $0x1;
	[sflag:s30] =	ssyncpa.u1 $0x1  }
0x34: {  	[sflag:s31] =	ssyncpa.u1 $0x1  }
0x35: {  	p0 =	sne.s32 s0, $0x0;
	_ =	strace $0x90000047  }
0x36: {  	s0 =	sadd.s32 @!p0 $0x100000, s1;
	[bflag:$0x2] =	sbarrier.arrive $0xFFFF  }
0x37: {  	[sflag:s0] =	ssyncadd.tile.s32 @!p0 $0x1;
	_ =	shalt  }
.Lfunc_end2:
_tile_overlayer_lowered:
.L_overlay_start_2:
0x38: {  	(tag) =	ssettag $0x2  }
0x39: {  	s0 =	rddreg [dreg:$0x0];
	s2 =	stileid.u32  }
0x3a: {  	s1 =	rddreg [dreg:$0x1];
	p0 =	sne.s32 s2, $0x0  }
0x3b: {  	s3 =	rddreg [dreg:$0x2];
	[bflag:$0x3] =	sbarrier.arrive $0xFFFF;
	s2 =	simm.s32 @!p0 $0x1C01  }
0x3c: {  	[timem:s3], [sflag:s2] =	dma.local @!p0 [hbm:s0], s1  }
0x3d: {  	s0 =	simm.s32 @!p0 $0x1  }
0x3e: {  	_ =	swait.ge @!p0 [sflag:s0], s1  }
0x3f: {  	s1 =	ssub.s32 @!p0 $0x0, s1;
	[sflag:s0] =	ssyncset.done @!p0 $0x0  }
0x40: {  	[sflag:s0] =	ssyncadd.s32 @!p0 s1  }
0x41: {  	[bflag:$0x3] =	sbarrier.arrive $0xFFFF  }
0x42: {  	_ =	shalt  }

// kernel: kernel.5.cloned.1.call-start
scs
__scs_entry_jumppad:
0x0: {  	(pc) =	sbr.rel $0x88, $3  }
0x1: {  	(tag) =	ssettag $0x0;
	lr =	simm.s32 $0x1  }
0x2: {  	[smem:$0x3F9D] =	sst lr;
	_ =	strace $0xD0000000  }
0x3: {  	_ = 	snop  }
0x4: {  	_ = 	snop  }
0x5: {  	_ = 	snop  }
0x6: {  	_ = 	snop  }
0x7: {  	_ = 	snop  }
__scs_overlays_trampoline_lowered:
0x8: {  	[smem:$0x3FAC] =	sst s0  }
0x9: {  	[smem:$0x3FAD] =	sst s1  }
0xa: {  	[smem:$0x3FAE] =	sst s2  }
0xb: {  	[smem:$0x3FAF] =	sst s3  }
0xc: {  	[smem:$0x3FB0] =	sst s4  }
0xd: {  	[smem:$0x3FB1] =	sst s5  }
0xe: {  	[smem:$0x3FB2] =	sst s6  }
0xf: {  	[smem:$0x3FB3] =	sst s7  }
0x10: {  	[smem:$0x3FB4] =	sst s8  }
0x11: {  	[smem:$0x3FB5] =	sst s9;
	s0 =	simm.s32 @!p0 $0x0  }
0x12: {  	s1 =	sld [smem:$0x3F9B];
	s0 =	simm.s32 @p0 $0x1  }
0x13: {  	[smem:$0x3FB6] =	sst s0;
	s0 =	simm.s32 @!p1 $0x0  }
0x14: {  	s2 =	sld [smem:$0x3F9A];
	s0 =	simm.s32 @p1 $0x1  }
0x15: {  	[smem:$0x3FB7] =	sst s0;
	s0 =	simm.s32 @!p2 $0x0  }
0x16: {  	s3 =	sld [smem:$0x3FDB];
	s0 =	simm.s32 @p2 $0x1  }
0x17: {  	s4 =	simm.s32 $0x1BF5;
	[smem:$0x3FB9] =	sst s0  }
0x18: {  	s0 =	sld [smem:$0x3F9C];
	_ =	swait.ge [sflag:s4], $0x0  }
0x19: {  	s7 =	sld [smem:$0x3F9D]  }
0x1a: {  	s8 =	sadd.s32 $0xFFFFE003, lr  }
0x1b: {  	s9 =	sadd.s32 $0xFFFFFEF7, lr;
	s5 =	simm.s32 $0xFFFFFFFF;
	p2 =	slt.u32 s8, $0xFFFFF086  }
0x1c: {  	p1 =	slt.u32 s9, $0xF7A;
	s5 =	simm.s32 @!p2 $0x0  }
0x1d: {  	s5 =	simm.s32 @p1 $0x1;
	p0 =	seq.s32 s7, s2  }
0x1e: {  	s7 =	smul.u32 @!p0 $0xF7A, s2;
	p2 =	seq.s32 @!p0 s5, $0x0  }
0x1f: {  	s9 =	smul.u32 $0xF7A, s1;
	s8 =	simm.s32 @!p0 $0x1BF5;
	p2 =	por !p2, p0  }
0x20: {  	[sflag:s8] =	ssyncset.s32 @!p0 $0xFFFFF086;
	s6 =	sadd.s32 @!p0 s3, s7;
	s7 =	simm.s32 @!p0 $0x108  }
0x21: {  	s3 =	sadd.s32 s3, s9;
	s6 =	sadd.s32 @!p0 $0x88, s6;
	s7 =	simm.s32 @p2 $0x1082  }
0x22: {  	[simem:s7], [sflag:s8] =	dma.local @!p0 [hbm:s6], $0xF7A  }
0x23: {  	s9 =	sor.u32 $0xD0000000, s2;
	s6 =	simm.s32 $0x108;
	_ =	swait.ge @!p0 [sflag:s8], $0x0  }
0x24: {  	s3 =	sadd.s32 $0x88, s3;
	s6 =	simm.s32 @!p1 $0x1082;
	[sflag:s4] =	ssyncset.s32 $0xFFFFF086  }
0x25: {  	[simem:s6], [sflag:s4] =	dma.local [hbm:s3], $0xF7A  }
0x26: {  	[smem:$0x3F9D] =	sst s1;
	(tag) =	ssettag s2;
	_ =	strace s9  }
0x27: {  	s1 =	sld [smem:$0x3FAD]  }
0x28: {  	s2 =	sld [smem:$0x3FAE]  }
0x29: {  	s4 =	sld [smem:$0x3FB0]  }
0x2a: {  	p0 =	seq.s32 s5, $0x0;
	s5 =	sld [smem:$0x3FB1]  }
0x2b: {  	s6 =	sld [smem:$0x3FB2]  }
0x2c: {  	s7 =	sld [smem:$0x3FB3]  }
0x2d: {  	s3 =	simm.s32 $0x108;
	s8 =	sld [smem:$0x3FB4]  }
0x2e: {  	s3 =	simm.s32 @!p0 $0x1082;
	s9 =	sld [smem:$0x3FB5]  }
0x2f: {  	lr =	sadd.s32 s0, s3;
	s0 =	sld [smem:$0x3FAC]  }
0x30: {  	s3 =	sld [smem:$0x3FAF]  }
0x31: {  	[smem:$0x3FB8] =	sst s10  }
0x32: {  	s10 =	sld [smem:$0x3FB6];
	_ =	sdelay $0x3  }
0x33: {  	p0 =	seq.s32 s10, $0x1;
	s10 =	sld [smem:$0x3FB8];
	_ =	sdelay $0x3  }
0x34: {  	[smem:$0x3FB8] =	sst s10  }
0x35: {  	s10 =	sld [smem:$0x3FB7];
	_ =	sdelay $0x3  }
0x36: {  	p1 =	seq.s32 s10, $0x1;
	s10 =	sld [smem:$0x3FB8];
	_ =	sdelay $0x3  }
0x37: {  	[smem:$0x3FB8] =	sst s10  }
0x38: {  	s10 =	sld [smem:$0x3FB9]  }
0x39: {  	_ = 	snop;
	(pc) =	sbr.ind lr, $3  }
0x3a: {  	_ = 	snop  }
0x3b: {  	_ = 	snop  }
0x3c: {  	p2 =	seq.s32 s10, $0x1;
	s10 =	sld [smem:$0x3FB8]  }
0x3d: {  	_ =	shalt  }
0x3e: {  	_ =	shalt  }
0x3f: {  	_ =	shalt  }
0x40: {  	_ =	shalt  }
0x41: {  	_ =	shalt  }
0x42: {  	_ =	shalt  }
0x43: {  	_ =	shalt  }
0x44: {  	_ =	shalt  }
0x45: {  	_ =	shalt  }
0x46: {  	_ =	shalt  }
0x47: {  	_ =	shalt  }
0x48: {  	_ =	shalt  }
0x49: {  	_ =	shalt  }
0x4a: {  	_ =	shalt  }
0x4b: {  	_ =	shalt  }
0x4c: {  	_ =	shalt  }
0x4d: {  	_ =	shalt  }
0x4e: {  	_ =	shalt  }
0x4f: {  	_ =	shalt  }
0x50: {  	_ =	shalt  }
0x51: {  	_ =	shalt  }
0x52: {  	_ =	shalt  }
0x53: {  	_ =	shalt  }
0x54: {  	_ =	shalt  }
0x55: {  	_ =	shalt  }
0x56: {  	_ =	shalt  }
0x57: {  	_ =	shalt  }
0x58: {  	_ =	shalt  }
0x59: {  	_ =	shalt  }
0x5a: {  	_ =	shalt  }
0x5b: {  	_ =	shalt  }
0x5c: {  	_ =	shalt  }
0x5d: {  	_ =	shalt  }
0x5e: {  	_ =	shalt  }
0x5f: {  	_ =	shalt  }
0x60: {  	_ =	shalt  }
0x61: {  	_ =	shalt  }
0x62: {  	_ =	shalt  }
0x63: {  	_ =	shalt  }
0x64: {  	_ =	shalt  }
0x65: {  	_ =	shalt  }
0x66: {  	_ =	shalt  }
0x67: {  	_ =	shalt  }
0x68: {  	_ =	shalt  }
0x69: {  	_ =	shalt  }
0x6a: {  	_ =	shalt  }
0x6b: {  	_ =	shalt  }
0x6c: {  	_ =	shalt  }
0x6d: {  	_ =	shalt  }
0x6e: {  	_ =	shalt  }
0x6f: {  	_ =	shalt  }
0x70: {  	_ =	shalt  }
0x71: {  	_ =	shalt  }
0x72: {  	_ =	shalt  }
0x73: {  	_ =	shalt  }
0x74: {  	_ =	shalt  }
0x75: {  	_ =	shalt  }
0x76: {  	_ =	shalt  }
0x77: {  	_ =	shalt  }
0x78: {  	_ =	shalt  }
0x79: {  	_ =	shalt  }
0x7a: {  	_ =	shalt  }
0x7b: {  	_ =	shalt  }
0x7c: {  	_ =	shalt  }
0x7d: {  	_ =	shalt  }
0x7e: {  	_ =	shalt  }
0x7f: {  	_ =	shalt  }
0x80: {  	_ =	shalt  }
0x81: {  	_ =	shalt  }
0x82: {  	_ =	shalt  }
0x83: {  	_ =	shalt  }
0x84: {  	_ =	shalt  }
0x85: {  	_ =	shalt  }
0x86: {  	_ =	shalt  }
0x87: {  	_ =	shalt  }
.Lfunc_end0:
.L_simem_size_0:
called_computation.2_lowered:
.L_overlay_start_0:
0x88: {  	s2 =	sld [smem:$0x3FD9]  }
0x89: {  	s3 =	sld [smem:$0x3FFE];
	_ =	sdelay $0x1  }
0x8a: {  	s1 =	srdreg.scid  }
0x8b: {  	s0 =	sand.u32 $0x1, s1  }
0x8c: {  	s17 =	sshll.u32 s0, $0xA;
	s2 =	sadd.s32 s3, s2  }
0x8d: {  	s2 =	sadd.s32 s2, s17  }
0x8e: {  	[smem:$0x3FC4] =	sst s2  }
0x8f: {  	_ = 	snop  }
0x90: {  	s2 =	sld [smem:$0x3FD0];
	(tm) =	ssettm $0x1  }
0x91: {  	s18 =	sld [smem:$0x3FFB];
	_ =	sdelay $0x3  }
0x92: {  	_ =	strace s18  }
0x93: {  	s3 =	sld [smem:$0x3FFC];
	_ =	sdelay $0x3  }
0x94: {  	_ =	strace s3  }
0x95: {  	s3 =	sld [smem:$0x3FFD];
	_ =	sdelay $0x3  }
0x96: {  	_ =	strace s3  }
0x97: {  	_ =	strace $0x8FFFFFFF  }
0x98: {  	s19 =	sld [smem:$0x3FDB];
	_ =	sdelay $0x1  }
0x99: {  	s4 =	simm.s32 $_scs_section_size  }
0x9a: {  	s5 =	simm.s32 $_size__tile_overlayer_lowered;
	s6 =	simm.s32 $_tile_overlayer_lowered  }
0x9b: {  	s22 =	simm.s32 $0x1BFF;
	s21 =	sshll.u32 s6, $0x1;
	s3 =	sadd.s32 s4, s19  }
0x9c: {  	s7 =	simm.s32 $0x0;
	s20 =	sshll.u32 s5, $0x1;
	s5 =	sadd.s32 s21, s3  }
0x9d: {  	[timem:s7], [sflag:s22] =	dma.local [hbm:s5], s20  }
0x9e: {  	_ =	swait.ge [sflag:s22], s20  }
0x9f: {  	s4 =	ssub.s32 $0x0, s20;
	[sflag:s22] =	ssyncset.done $0x0  }
0xa0: {  	[sflag:s22] =	ssyncadd.s32 s4;
	_ =	sdelay $0x1  }
0xa1: {  	s23 =	simm.s32 $0x1B8B  }
0xa2: {  	_ =	swait.ge [sflag:s23], $0x1  }
0xa3: {  	[sflag:s23] =	ssyncset.done $0x0  }
0xa4: {  	s25 =	simm.s32 $0x1B8E;
	s24 =	sld [smem:$0x3FFE];
	[sflag:s23] =	ssyncadd.s32 $0xFFFFFFFF  }
0xa5: {  	s26 =	simm.s32 $execute0_lowered;
	[smem:$0x3FD2] =	sst s25  }
0xa6: {  	s5 =	sshll.u32 s26, $0x1;
	_ =	strace $0x8000004C;
	[dreg:$0x1] =	wrdreg $0xFFFFFFFF  }
0xa7: {  	s28 =	simm.s32 $_size_execute0_lowered;
	s3 =	sadd.s32 s3, s5;
	[dreg:$0x0] =	wrdreg $0x0  }
0xa8: {  	s5 =	sshll.u32 s28, $0x1;
	[dreg:$0x2] =	wrdreg s3  }
0xa9: {  	[dreg:$0x3] =	wrdreg s5  }
0xaa: {  	[dreg:$0x4] =	wrdreg $0xC0  }
0xab: {  	_ =	task [dreg:s7], $0x5FFFF  }
0xac: {  	[dreg:$0x1] =	wrdreg $0xFFFFFFFF  }
0xad: {  	[dreg:$0x0] =	wrdreg $0x60  }
0xae: {  	[dreg:$0x2] =	wrdreg s2  }
0xaf: {  	[dreg:$0x3] =	wrdreg s24  }
0xb0: {  	[dreg:$0x4] =	wrdreg $0xA9000  }
0xb1: {  	[dreg:$0x5] =	wrdreg $0x9  }
0xb2: {  	_ =	task.clear_ibuf [dreg:s7], $0x6FFFF;
	_ =	strace $0x9000004C  }
0xb3: {  	s29 =	simm.s32 $0x9;
	_ =	strace $0x8000004E  }
0xb4: {  	_ =	swait.ge [sflag:s29], $0x1  }
0xb5: {  	[sflag:s29] =	ssyncadd.s32 $0xFFFFFFFF  }
0xb6: {  	_ =	strace $0x9000004E  }
0xb7: {  	_ =	sfence  }
0xb8: {  	s30 =	sld [smem:$0x0];
	_ =	sdelay $0x2  }
0xb9: {  	s31 =	sshll.u32 s1, $0xD;
	s1 =	sshrl.u32 s1, $0x2  }
0xba: {  	s3 =	sand.u32 $0x4000, s31;
	s1 =	sadd.s32 s1, s30  }
0xbb: {  	s0 =	sor.u32 s3, s0;
	s1 =	sshll.u32 s1, $0x11  }
0xbc: {  	s0 =	sor.u32 s1, s0  }
0xbd: {  	s0 =	sadd.s32 $0x8F2B, s0  }
0xbe: {  	[sflag:s0] =	ssyncadd.remote.s32 $0x1  }
0xbf: {  	_ =	sfence.sel $0xFFFF  }
0xc0: {  	[dreg:$0x0] =	wrdreg $0xFFFFFFFF;
	(pc) =	sbr.abs _section_cstart, $3  }
0xc1: {  	[dreg:$0x1] =	wrdreg $0xFFFFFFFF  }
0xc2: {  	_ =	task.clear_ibuf [dreg:s7], $0x2FFFF;
	_ =	strace $0x9FFFFFFF  }
0xc3: {  	(tm) =	ssettm $0x7FFFFFFF  }
tec
execute0_lowered:
.L_overlay_start_1:
0x0: {  	(tag) =	ssettag $0x1  }
0x1: {  	s1 =	rddreg [dreg:$0x0]  }
0x2: {  	s2 =	srdreg.scid;
	s5 =	rddreg [dreg:$0x1]  }
0x3: {  	s0 =	stileid.u32;
	s3 =	rddreg [dreg:$0x2]  }
0x4: {  	s4 =	simm.s32 $0x0;
	s16 =	simm.s32 $0x2900;
	s17 =	simm.s32 $0x5  }
0x5: {  	s20 =	simm.s32 $0x2880;
	s21 =	simm.s32 $0x80;
	s9 =	smul.u32 $0x4F000, s0  }
0x6: {  	s15 =	sand.u32 $0x1, s2;
	s28 =	sshll.u32 s0, $0x1;
	s23 =	smul.u32 $0x2780, s0  }
0x7: {  	[smem:$0x7FF] =	sst s4;
	s6 =	sor.u32 s15, s28;
	s8 =	smul.u32 $0x27800, s15  }
0x8: {  	_ =	strace $0x8000004D;
	s29 =	ssub.s32 $0x2, s15;
	s7 =	smul.u32 $0x500, s6  }
0x9: {  	s6 =	smul.u32 $0x4F0, s6;
	s30 =	sshrl.u32 s29, $0x1;
	s31 =	sshrl.u32 s9, $0x2  }
0xa: {  	s13 =	sadd.s32 s8, s5;
	s14 =	ssub.s32 s29, s30;
	s11 =	sadd.s32 s7, s5  }
0xb: {  	s12 =	sadd.s32 s6, s5;
	s5 =	sxor.u32 $0x4F, s15;
	s6 =	sadd.s32 s31, s3  }
0xc: {  	s22 =	sadd.s32 $0x33000, s13;
	s13 =	smax.u32 s14, $0x1;
	s14 =	ssub.s32 $0x4E, s15  }
0xd: {  	s15 =	sxor.u32 $0x4D, s15;
	s7 =	sadd.s32 $0x4000, s6;
	s8 =	sadd.s32 $0x8000, s6  }
0xe: {  	s9 =	sadd.s32 $0xC000, s6;
	s10 =	sadd.s32 $0x10000, s6;
	s12 =	sadd.s32 $0x1F200, s12  }
0xf: {  	v0 =	vimm.f32 $0.0e+00;
	s11 =	sadd.s32 $0x29000, s11;
	s22 =	sadd.s32 s23, s22;
	s19 =	sadd.s32 $0x10, s12  }
.LBB2_1:
0x10: {  	s23 =	simm.s32 $0x0;
	s24 =	simm.s32 $0x200  }
.LBB2_2:
0x11: {  	p0 =	sne.s32 s24, $0xFE00;
	[tilespmem:s23+$0x2970] =	vst v0  }
0x12: {  	[tilespmem:s23+$0x2900] =	vst v0  }
0x13: {  	[tilespmem:s23+$0x2910] =	vst v0  }
.Ltmp0:
0x14: {  	[tilespmem:s23+$0x2920] =	vst v0;
	(pc) =	sbr.rel @p0 .LBB2_2-.Ltmp0, $4  }
0x15: {  	[tilespmem:s23+$0x2930] =	vst v0  }
0x16: {  	[tilespmem:s23+$0x2940] =	vst v0  }
0x17: {  	[tilespmem:s23+$0x2950] =	vst v0  }
0x18: {  	[tilespmem:s23+$0x2960] =	vst v0;
	s23 =	sshra.s32 s24, $0x2;
	s24 =	sadd.s32 $0x200, s24  }
0x19: {  	[tilespmem:s23+$0x2970] =	vst v0  }
0x1a: {  	[tilespmem:s23+$0x2900] =	vst v0  }
0x1b: {  	[tilespmem:s23+$0x2910] =	vst v0  }
0x1c: {  	[tilespmem:s23+$0x2920] =	vst v0  }
0x1d: {  	[tilespmem:s23+$0x2930] =	vst v0  }
0x1e: {  	[tilespmem:s23+$0x2940] =	vst v0  }
0x1f: {  	[tilespmem:s23+$0x2950] =	vst v0  }
0x20: {  	[tilespmem:s23+$0x2960] =	vst v0  }
0x21: {  	[spmem:s6] =	stream.linear.scatter [tilespmem:s16], [sflag:$0x5], $0x4000, $0x38;
	[tilespmem:$0x1E500] =	vst v63  }
0x22: {  	_ =	swait.ge [sflag:s17], $0x4000  }
0x23: {  	[sflag:s17] =	ssyncset.done $0x0  }
0x24: {  	[sflag:s17] =	ssyncadd.s32 $0xFFFFC000  }
0x25: {  	[spmem:s7] =	stream.linear.scatter [tilespmem:s16], [sflag:$0x5], $0x4000, $0x38;
	[tilespmem:$0x1E500] =	vst v63  }
0x26: {  	_ =	swait.ge [sflag:s17], $0x4000  }
0x27: {  	[sflag:s17] =	ssyncset.done $0x0  }
0x28: {  	[sflag:s17] =	ssyncadd.s32 $0xFFFFC000  }
0x29: {  	[spmem:s8] =	stream.linear.scatter [tilespmem:s16], [sflag:$0x5], $0x4000, $0x38;
	[tilespmem:$0x1E500] =	vst v63  }
0x2a: {  	_ =	swait.ge [sflag:s17], $0x4000  }
0x2b: {  	[sflag:s17] =	ssyncset.done $0x0  }
0x2c: {  	[sflag:s17] =	ssyncadd.s32 $0xFFFFC000  }
0x2d: {  	[spmem:s9] =	stream.linear.scatter [tilespmem:s16], [sflag:$0x5], $0x4000, $0x38;
	[tilespmem:$0x1E500] =	vst v63  }
0x2e: {  	_ =	swait.ge [sflag:s17], $0x4000  }
0x2f: {  	[sflag:s17] =	ssyncset.done $0x0  }
0x30: {  	[sflag:s17] =	ssyncadd.s32 $0xFFFFC000  }
0x31: {  	[spmem:s10] =	stream.linear.scatter [tilespmem:s16], [sflag:$0x5], $0x3C00, $0x38;
	[tilespmem:$0x1E500] =	vst v63  }
0x32: {  	_ =	swait.ge [sflag:s17], $0x3C00  }
0x33: {  	[sflag:s17] =	ssyncset.done $0x0  }
0x34: {  	s23 =	simm.s32 $0x0;
	[sflag:s17] =	ssyncadd.s32 $0xFFFFC400  }
0x35: {  	[tilespmem:s23], [sflag:$0x5] =	stream.linear.gather [hbm4b:s11+s23], $0x2780, $0x38;
	[tilespmem:$0x1E500] =	vst v63  }
0x36: {  	_ =	swait.ge [sflag:s17], $0x2780  }
0x37: {  	[sflag:s17] =	ssyncset.done $0x0  }
0x38: {  	s0 =	simm.s32 $0x2800;
	[sflag:s17] =	ssyncadd.s32 $0xFFFFD880  }
0x39: {  	[tilespmem:s0], [sflag:$0x3] =	stream.linear.gather [hbm4b:s12+s23], $0x80, $0x38;
	[tilespmem:$0x1E500] =	vst v63  }
0x3a: {  	s26 =	sand.u32 $0x1, s23  }
0x3b: {  	[tilespmem:s20], [sflag:$0x4] =	stream.linear.gather [hbm4b:s19+s23], $0x80, $0x38;
	[tilespmem:$0x1E500] =	vst v63  }
0x3c: {  	s24 =	simm.s32 $0x80;
	s28 =	sadd.s32 $0x1, s26;
	[bflag:$0x0] =	sbarrier.arrive $0xFFFF  }
0x3d: {  	[tilespmem:s16], [sflag:$0x1] =	stream.indirect.gather [hbm4b:s1+s24], $0x80, s23, s24, $0xb8;
	[tilespmem:$0x1E500] =	vst v63  }
0x3e: {  	p0 =	sne.s32 s14, $0x1;
	s29 =	sxor.u32 $0x1, s26;
	_ =	swait.ge [sflag:s28], $0x4000  }
0x3f: {  	s25 =	sadd.s32 $0x3, s26;
	s30 =	sshll.u32 s29, $0xE;
	[sflag:s28] =	ssyncset.done $0x0  }
0x40: {  	s29 =	sadd.s32 $0x1, s29;
	[sflag:s28] =	ssyncadd.s32 $0xFFFFC000;
	s28 =	sor.u32 $0x2900, s30  }
0x41: {  	[tilespmem:s28], [sflag:s29] =	stream.indirect.gather [hbm4b:s1+s21], $0x80, s24, s21, $0xb8;
	[tilespmem:$0x1E500] =	vst v63  }
0x42: {  	s18 =	sshll.u32 s26, $0xE;
	s26 =	sshll.u32 s26, $0x7;
	_ =	swait.ge [sflag:s25], $0x80  }
0x43: {  	p1 =	sle.u32 s5, $0x2;
	s30 =	sor.u32 $0x2800, s26;
	[sflag:s25] =	ssyncset.done $0x0  }
.Ltmp1:
0x44: {  	s24 =	sor.u32 $0x2900, s18;
	[sflag:s25] =	ssyncadd.s32 $0xFFFFFF80;
	(pc) =	sbr.rel @!p0 .LBB2_5-.Ltmp1, $4  }
0x45: {  	[spmem:s3] =	stream.indirect.scatter.add.f32 [tilespmem:s24], [sflag:$0x5], $0x80, s30, s21, $0xb8;
	[tilespmem:$0x1E500] =	vst v63  }
0x46: {  	s31 =	simm.s32 @!p1 $0x0;
	_ =	swait.ge [sflag:s17], $0x4000  }
0x47: {  	s26 =	simm.s32 $0x100;
	s29 =	sadd.s32 $0x20, s12;
	[sflag:s17] =	ssyncset.done $0x0  }
0x48: {  	s28 =	sadd.s32 $0x10, s29;
	s24 =	simm.s32 $0x1;
	[sflag:s17] =	ssyncadd.s32 $0xFFFFC000  }
.LBB2_4:
0x49: {  	s23 =	smov.u32 s24  }
0x4a: {  	[tilespmem:s30], [sflag:s25] =	stream.linear.gather @!p1 [hbm4b:s29+s31], $0x80, $0x38;
	[tilespmem:$0x1E500] =	vst v63  }
0x4b: {  	s25 =	sand.u32 $0x1, s24;
	s31 =	smov.u32 s24;
	s24 =	sadd.s32 $0x1, s24  }
0x4c: {  	s30 =	sshll.u32 s25, $0xE;
	s29 =	sadd.s32 $0x1, s25;
	s2 =	sxor.u32 $0x1, s25  }
0x4d: {  	s18 =	sshll.u32 s25, $0x7;
	s0 =	sshll.u32 s2, $0xE;
	_ =	swait.ge [sflag:s29], $0x4000  }
0x4e: {  	s25 =	sadd.s32 $0x3, s25;
	p0 =	sne.s32 s14, s24;
	[sflag:s29] =	ssyncset.done $0x0  }
0x4f: {  	s2 =	sadd.s32 $0x1, s2;
	s0 =	sor.u32 $0x2900, s0;
	[sflag:s29] =	ssyncadd.s32 $0xFFFFC000  }
0x50: {  	[tilespmem:s0], [sflag:s2] =	stream.indirect.gather [hbm4b:s1+s21], $0x80, s26, s21, $0xb8;
	[tilespmem:$0x1E500] =	vst v63  }
0x51: {  	s29 =	smov.u32 s28;
	_ =	swait.ge [sflag:s25], $0x80  }
0x52: {  	s0 =	sor.u32 $0x2900, s30;
	[sflag:s25] =	ssyncset.done $0x0  }
.Ltmp2:
0x53: {  	s30 =	sor.u32 $0x2800, s18;
	[sflag:s25] =	ssyncadd.s32 $0xFFFFFF80;
	(pc) =	sbr.rel @p0 .LBB2_4-.Ltmp2, $4  }
0x54: {  	[spmem:s3] =	stream.indirect.scatter.add.f32 [tilespmem:s0], [sflag:$0x5], $0x80, s30, s21, $0xb8;
	[tilespmem:$0x1E500] =	vst v63  }
0x55: {  	s0 =	sadd.s32 $0x2, s31;
	_ =	swait.ge [sflag:s17], $0x4000  }
0x56: {  	s26 =	sadd.s32 $0x80, s26;
	p1 =	sge.u32 s0, s5;
	[sflag:s17] =	ssyncset.done $0x0  }
0x57: {  	s28 =	sadd.s32 $0x10, s28;
	s31 =	simm.s32 @!p1 $0x0;
	[sflag:s17] =	ssyncadd.s32 $0xFFFFC000  }
.LBB2_5:
0x58: {  	[tilespmem:s30], [sflag:s25] =	stream.linear.gather @!p1 [hbm4b:s29+s31], $0x80, $0x38;
	[tilespmem:$0x1E500] =	vst v63  }
0x59: {  	s0 =	sand.u32 $0x1, s24;
	p0 =	sge.u32 s23, s15  }
0x5a: {  	s2 =	sadd.s32 $0x1, s0;
	s18 =	sxor.u32 @!p0 $0x1, s0  }
0x5b: {  	s24 =	simm.s32 @!p0 $0x2700;
	s28 =	sadd.s32 $0x3, s0;
	_ =	swait.ge [sflag:s2], $0x4000  }
0x5c: {  	s23 =	sshll.u32 @!p0 s18, $0xE;
	s18 =	sadd.s32 @!p0 $0x1, s18;
	[sflag:s2] =	ssyncset.done $0x0  }
0x5d: {  	[sflag:s2] =	ssyncadd.s32 $0xFFFFC000;
	s2 =	sor.u32 @!p0 $0x2900, s23;
	s23 =	simm.s32 @!p0 $0x80  }
0x5e: {  	[tilespmem:s2], [sflag:s18] =	stream.indirect.gather @!p0 [hbm4b:s1+s23], $0x80, s24, s23, $0xb8;
	[tilespmem:$0x1E500] =	vst v63  }
0x5f: {  	_ =	swait.ge [sflag:s28], $0x80  }
0x60: {  	s29 =	sshll.u32 s0, $0xE;
	s0 =	sshll.u32 s0, $0x7;
	[sflag:s28] =	ssyncset.done $0x0  }
0x61: {  	s0 =	sor.u32 $0x2800, s0;
	s18 =	sor.u32 $0x2900, s29;
	[sflag:s28] =	ssyncadd.s32 $0xFFFFFF80  }
0x62: {  	[spmem:s3] =	stream.indirect.scatter.add.f32 [tilespmem:s18], [sflag:$0x5], $0x80, s0, s21, $0xb8;
	[tilespmem:$0x1E500] =	vst v63  }
0x63: {  	s30 =	stileid.u32;
	_ =	swait.ge [sflag:s17], $0x4000  }
0x64: {  	s31 =	sshrl.u32 s6, $0x3;
	s4 =	sadd.s32 $0x1, s4;
	[sflag:s17] =	ssyncset.done $0x0  }
0x65: {  	p0 =	sne.s32 s4, s13;
	s0 =	sshll.u32 s30, $0x6;
	[sflag:s17] =	ssyncadd.s32 $0xFFFFC000  }
.Ltmp3:
0x66: {  	s0 =	sor.u32 $0x1C05, s0;
	[bflag:$0x0] =	sbarrier.arrive $0xFFFF;
	(pc) =	sbr.rel @p0 .LBB2_1-.Ltmp3, $4  }
0x67: {  	[hbm:s22], [sflag:s0] =	dma.local [spmem:s31], $0x2780  }
0x68: {  	_ =	swait.ge [sflag:s17], $0x2780  }
0x69: {  	[sflag:s17] =	ssyncset.done $0x0  }
0x6a: {  	[sflag:s17] =	ssyncadd.s32 $0xFFFFD880  }
0x6b: {  	_ =	sfence.sel $0x180000  }
0x6c: {  	[bflag:$0x0] =	sbarrier.arrive $0xFFFF  }
0x6d: {  	_ =	strace $0x9000004D  }
0x6e: {  	s0 =	stileid.u32;
	[bflag:$0x2] =	sbarrier.arrive $0xFFFF  }
0x6f: {  	p0 =	sne.s32 s0, $0x0;
	s0 =	rddreg [dreg:$0x3]  }
0x70: {  	s0 =	sadd.s32 @!p0 $0x100000, s0  }
0x71: {  	[sflag:s0] =	ssyncadd.tile.s32 @!p0 $0x1;
	_ =	shalt  }
.Lfunc_end2:
_tile_overlayer_lowered:
.L_overlay_start_2:
0x72: {  	(tag) =	ssettag $0x2  }
0x73: {  	s0 =	rddreg [dreg:$0x0];
	s2 =	stileid.u32  }
0x74: {  	s1 =	rddreg [dreg:$0x1];
	p0 =	sne.s32 s2, $0x0  }
0x75: {  	s3 =	rddreg [dreg:$0x2];
	[bflag:$0x3] =	sbarrier.arrive $0xFFFF;
	s2 =	simm.s32 @!p0 $0x1C05  }
0x76: {  	[timem:s3], [sflag:s2] =	dma.local @!p0 [hbm:s0], s1  }
0x77: {  	s0 =	simm.s32 @!p0 $0x5  }
0x78: {  	_ =	swait.ge @!p0 [sflag:s0], s1  }
0x79: {  	s1 =	ssub.s32 @!p0 $0x0, s1;
	[sflag:s0] =	ssyncset.done @!p0 $0x0  }
0x7a: {  	[sflag:s0] =	ssyncadd.s32 @!p0 s1  }
0x7b: {  	[bflag:$0x3] =	sbarrier.arrive $0xFFFF  }
0x7c: {  	_ =	shalt  }

</sc_bundles>
